<compile_context>
chip_gen: v7x
topology: tpu7x:2x2x1
jax: 0.10.2.dev20260603
libtpu: 0.0.44.dev20260713+nightly
codegen_flags: <defaults>
</compile_context>

<pallas_src>
import jax
import jax.numpy as jnp
from jax import lax
from jax.experimental import pallas as pl
from jax.experimental.pallas import tpu as pltpu
from jax.experimental.pallas import tpu_sc as plsc

_ROWS = 16384
_COLS = 4096
_NW = 32
_RPW = _ROWS // _NW
_GROUP = 4
_NGRP = _RPW // _GROUP
_CH = _COLS // 16

_mesh = plsc.VectorSubcoreMesh(core_axis_name="c", subcore_axis_name="s")


def _body(x_hbm, o_hbm, b0, b1, b2, b3, si0, si1, si2, si3, so0, so1, so2, so3):
    bufs = (b0, b1, b2, b3)
    sins = (si0, si1, si2, si3)
    souts = (so0, so1, so2, so3)
    wid = lax.axis_index("s") * 2 + lax.axis_index("c")
    base = wid * _RPW

    def start_in(g, b):
        pltpu.async_copy(
            x_hbm.at[pl.ds(base + g * _GROUP, _GROUP), :], bufs[b], sins[b]
        )

    def wait_in(b):
        pltpu.make_async_copy(
            x_hbm.at[pl.ds(0, _GROUP), :], bufs[b], sins[b]
        ).wait()

    def start_out(g, b):
        pltpu.async_copy(
            bufs[b], o_hbm.at[pl.ds(base + g * _GROUP, _GROUP), :], souts[b]
        )

    def wait_out(b):
        pltpu.make_async_copy(
            bufs[b], o_hbm.at[pl.ds(0, _GROUP), :], souts[b]
        ).wait()

    idx15 = jnp.full((16, 1), 15, jnp.int32)
    dn = lax.GatherDimensionNumbers(
        offset_dims=(), collapsed_slice_dims=(0,), start_index_map=(0,)
    )

    def compute(b):
        buf = bufs[b]
        zero = jnp.zeros((16,), jnp.float32)

        @plsc.parallel_loop(0, _CH, carry=(zero,) * _GROUP, unroll=16)
        def _loop(j, carry):
            o = (_CH - 1 - j) * 16
            new = []
            for r in range(_GROUP):
                v = buf[r, pl.ds(o, 16)]
                cs = plsc.cumsum(v)
                tot = lax.gather(
                    cs, idx15, dn, (1,),
                    mode=lax.GatherScatterMode.PROMISE_IN_BOUNDS,
                )
                up = carry[r] + tot
                buf[r, pl.ds(o, 16)] = (up - cs) + v
                new.append(up)
            return tuple(new)

    start_in(0, 0)
    start_in(1, 1)

    def quad(q, _):
        for b in range(4):
            g = q * 4 + b
            nb = (b + 2) % 4

            @pl.when(jnp.logical_and(g >= 2, g + 2 < _NGRP))
            def _():
                wait_out(nb)

            @pl.when(g + 2 < _NGRP)
            def _():
                start_in(g + 2, nb)

            wait_in(b)
            compute(b)
            start_out(g, b)
        return 0

    lax.fori_loop(0, _NGRP // 4, quad, 0)
    for b in range(4):
        wait_out(b)


@jax.jit
def kernel(x):
    k = pl.kernel(
        _body,
        out_type=jax.ShapeDtypeStruct((_ROWS, _COLS), jnp.float32),
        mesh=_mesh,
        scratch_types=(
            [pltpu.VMEM((_GROUP, _COLS), jnp.float32)] * 4
            + [pltpu.SemaphoreType.DMA] * 8
        ),
        compiler_params=pltpu.CompilerParams(needs_layout_passes=False),
    )
    return k(x)

# --- scband reference (transcript-rebuilt; emitter-appended) ---
"""Pipeline reference for scband-model-new-48515950575852 (READ-ONLY COPY).

The authoritative reference and input builder live on the scoring server;
editing this copy changes nothing except your own understanding.
"""

import jax, jax.numpy as jnp
import numpy as np

def setup_inputs(seed: int = 0) -> dict:
    key = jax.random.key(seed)
    x = jax.random.normal(key, (16384, 4096), dtype=jnp.float32)
    return {"x": x}

def reference(x):
    # Reverse cumulative sum along dim=1: cumsum(flip(x, 1), 1) then flip back.
    return jnp.flip(jnp.cumsum(jnp.flip(x, axis=1), axis=1), axis=1)

if __name__ == "__main__":
    import jax
    _d = setup_inputs()
    print(jax.jit(kernel)(*tuple(_d.values())))

</pallas_src>

<mosaic_0001>
#map = affine_map<(d0, d1) -> (0, 0)>
module attributes {stable_mosaic.version = 14 : i64} {
  func.func @_body(%arg0: i32, %arg1: i32, %arg2: memref<16384x4096xf32, #tpu.memory_space<hbm>>, %arg3: memref<16384x4096xf32, #tpu.memory_space<hbm>>, %arg4: memref<4x4096xf32, #tpu.memory_space<vmem>>, %arg5: memref<4x4096xf32, #tpu.memory_space<vmem>>, %arg6: memref<4x4096xf32, #tpu.memory_space<vmem>>, %arg7: memref<4x4096xf32, #tpu.memory_space<vmem>>, %arg8: memref<!tpu.dma_semaphore, #tpu.memory_space<semaphore_mem>>, %arg9: memref<!tpu.dma_semaphore, #tpu.memory_space<semaphore_mem>>, %arg10: memref<!tpu.dma_semaphore, #tpu.memory_space<semaphore_mem>>, %arg11: memref<!tpu.dma_semaphore, #tpu.memory_space<semaphore_mem>>, %arg12: memref<!tpu.dma_semaphore, #tpu.memory_space<semaphore_mem>>, %arg13: memref<!tpu.dma_semaphore, #tpu.memory_space<semaphore_mem>>, %arg14: memref<!tpu.dma_semaphore, #tpu.memory_space<semaphore_mem>>, %arg15: memref<!tpu.dma_semaphore, #tpu.memory_space<semaphore_mem>>) attributes {dimension_semantics = [#tpu.dimension_semantics<core_parallel>, #tpu.dimension_semantics<subcore_parallel>], iteration_bounds = array<i64: 2, 16>, scalar_prefetch = 0 : i64, scratch_operands = 12 : i64, tpu.core_type = #tpu.core_type<sc_vector_subcore>, window_params = [{transform_indices = #map}, {transform_indices = #map}]} {
    %mul3A = arith.constant 2 : i32
    %mul3A_0 = arith.muli %arg1, %mul3A : i32
    %add3A = arith.addi %mul3A_0, %arg0 : i32
    %mul3A_1 = arith.constant 512 : i32
    %mul3A_2 = arith.muli %add3A, %mul3A_1 : i32
    %broadcast_in_dim3A = arith.constant 15 : i32
    %broadcast_in_dim3A_3 = vector.broadcast %broadcast_in_dim3A : i32 to vector<16x1xi32>
    %add3A_4 = arith.constant 0 : i32
    %add3A_5 = arith.addi %mul3A_2, %add3A_4 : i32
    %dma_start3A = arith.constant 0 : i32
    %dma_start3A_6 = tpu.memref_slice %arg2[%add3A_5, %dma_start3A] : memref<16384x4096xf32, #tpu.memory_space<hbm>> -> memref<4x4096xf32, #tpu.memory_space<hbm>>
    %dma_start3A_7 = arith.constant 0 : i32
    %dma_start3A_8 = tpu.memref_slice %arg2[%add3A_5, %dma_start3A_7] : memref<16384x4096xf32, #tpu.memory_space<hbm>> -> memref<4x4096xf32, #tpu.memory_space<hbm>>
    tpu.enqueue_dma source(%dma_start3A_8 : memref<4x4096xf32, #tpu.memory_space<hbm>>) target(%arg4 : memref<4x4096xf32, #tpu.memory_space<vmem>>) target_semaphore(%arg8 : memref<!tpu.dma_semaphore, #tpu.memory_space<semaphore_mem>>)
    %add3A_9 = arith.constant 4 : i32
    %add3A_10 = arith.addi %mul3A_2, %add3A_9 : i32
    %dma_start3A_11 = arith.constant 0 : i32
    %dma_start3A_12 = tpu.memref_slice %arg2[%add3A_10, %dma_start3A_11] : memref<16384x4096xf32, #tpu.memory_space<hbm>> -> memref<4x4096xf32, #tpu.memory_space<hbm>>
    %dma_start3A_13 = arith.constant 0 : i32
    %dma_start3A_14 = tpu.memref_slice %arg2[%add3A_10, %dma_start3A_13] : memref<16384x4096xf32, #tpu.memory_space<hbm>> -> memref<4x4096xf32, #tpu.memory_space<hbm>>
    tpu.enqueue_dma source(%dma_start3A_14 : memref<4x4096xf32, #tpu.memory_space<hbm>>) target(%arg5 : memref<4x4096xf32, #tpu.memory_space<vmem>>) target_semaphore(%arg9 : memref<!tpu.dma_semaphore, #tpu.memory_space<semaphore_mem>>)
    %scan3A = arith.constant 0 : i32
    %scan3A_15 = arith.constant 0 : i32
    %scan3A_16 = arith.constant 32 : i32
    %scan3A_17 = arith.addi %scan3A_15, %scan3A_16 : i32
    %scan3A_18 = arith.constant 1 : i32
    %scan3A_19 = scf.for %scan3A_44 = %scan3A_15 to %scan3A_17 step %scan3A_18 iter_args(%scan3A_45 = %scan3A) -> (i32)  : i32 {
      %mul3A_46 = arith.constant 4 : i32
      %mul3A_47 = arith.muli %scan3A_44, %mul3A_46 : i32
      %add3A_48 = arith.constant 0 : i32
      %add3A_49 = arith.addi %mul3A_47, %add3A_48 : i32
      %ge3A = arith.constant 2 : i32
      %ge3A_50 = arith.cmpi sge, %add3A_49, %ge3A : i32
      %add3A_51 = arith.constant 2 : i32
      %add3A_52 = arith.addi %add3A_49, %add3A_51 : i32
      %lt3A = arith.constant 128 : i32
      %lt3A_53 = arith.cmpi slt, %add3A_52, %lt3A : i32
      %and3A = arith.andi %ge3A_50, %lt3A_53 : i1
      %convert_element_type3A = arith.extui %and3A : i1 to i32
      %cond3A = arith.constant 0 : i32
      %cond3A_54 = arith.cmpi ne, %convert_element_type3A, %cond3A : i32
      scf.if %cond3A_54 {
        %dma_wait3A_201 = arith.constant 0 : i32
        %dma_wait3A_202 = arith.constant 0 : i32
        %dma_wait3A_203 = tpu.memref_slice %arg3[%dma_wait3A_201, %dma_wait3A_202] : memref<16384x4096xf32, #tpu.memory_space<hbm>> -> memref<4x4096xf32, #tpu.memory_space<hbm>>
        %dma_wait3A_204 = arith.constant 0 : i32
        %dma_wait3A_205 = arith.constant 0 : i32
        %dma_wait3A_206 = tpu.memref_slice %arg3[%dma_wait3A_204, %dma_wait3A_205] : memref<16384x4096xf32, #tpu.memory_space<hbm>> -> memref<4x4096xf32, #tpu.memory_space<hbm>>
        tpu.wait_dma2 semaphore(%arg14 : memref<!tpu.dma_semaphore, #tpu.memory_space<semaphore_mem>>) src(%arg6 : memref<4x4096xf32, #tpu.memory_space<vmem>>) dst(%dma_wait3A_206 : memref<4x4096xf32, #tpu.memory_space<hbm>>)
      } else {
      }
      %add3A_55 = arith.constant 2 : i32
      %add3A_56 = arith.addi %add3A_49, %add3A_55 : i32
      %lt3A_57 = arith.constant 128 : i32
      %lt3A_58 = arith.cmpi slt, %add3A_56, %lt3A_57 : i32
      %convert_element_type3A_59 = arith.extui %lt3A_58 : i1 to i32
      %cond3A_60 = arith.constant 0 : i32
      %cond3A_61 = arith.cmpi ne, %convert_element_type3A_59, %cond3A_60 : i32
      scf.if %cond3A_61 {
        %add3A_201 = arith.constant 2 : i32
        %add3A_202 = arith.addi %add3A_49, %add3A_201 : i32
        %mul3A_203 = arith.constant 4 : i32
        %mul3A_204 = arith.muli %add3A_202, %mul3A_203 : i32
        %add3A_205 = arith.addi %mul3A_2, %mul3A_204 : i32
        %dma_start3A_206 = arith.constant 0 : i32
        %dma_start3A_207 = tpu.memref_slice %arg2[%add3A_205, %dma_start3A_206] : memref<16384x4096xf32, #tpu.memory_space<hbm>> -> memref<4x4096xf32, #tpu.memory_space<hbm>>
        %dma_start3A_208 = arith.constant 0 : i32
        %dma_start3A_209 = tpu.memref_slice %arg2[%add3A_205, %dma_start3A_208] : memref<16384x4096xf32, #tpu.memory_space<hbm>> -> memref<4x4096xf32, #tpu.memory_space<hbm>>
        tpu.enqueue_dma source(%dma_start3A_209 : memref<4x4096xf32, #tpu.memory_space<hbm>>) target(%arg6 : memref<4x4096xf32, #tpu.memory_space<vmem>>) target_semaphore(%arg10 : memref<!tpu.dma_semaphore, #tpu.memory_space<semaphore_mem>>)
      } else {
      }
      %dma_wait3A_62 = arith.constant 0 : i32
      %dma_wait3A_63 = arith.constant 0 : i32
      %dma_wait3A_64 = tpu.memref_slice %arg2[%dma_wait3A_62, %dma_wait3A_63] : memref<16384x4096xf32, #tpu.memory_space<hbm>> -> memref<4x4096xf32, #tpu.memory_space<hbm>>
      %dma_wait3A_65 = arith.constant 0 : i32
      %dma_wait3A_66 = arith.constant 0 : i32
      %dma_wait3A_67 = tpu.memref_slice %arg2[%dma_wait3A_65, %dma_wait3A_66] : memref<16384x4096xf32, #tpu.memory_space<hbm>> -> memref<4x4096xf32, #tpu.memory_space<hbm>>
      tpu.wait_dma2 semaphore(%arg8 : memref<!tpu.dma_semaphore, #tpu.memory_space<semaphore_mem>>) src(%dma_wait3A_67 : memref<4x4096xf32, #tpu.memory_space<hbm>>) dst(%arg4 : memref<4x4096xf32, #tpu.memory_space<vmem>>)
      %broadcast_in_dim3A_68 = arith.constant 0.000000e+00 : f32
      %broadcast_in_dim3A_69 = vector.broadcast %broadcast_in_dim3A_68 : f32 to vector<16xf32>
      %parallel_loop3A = arith.constant 0 : i32
      %parallel_loop3A_70 = arith.constant 256 : i32
      %parallel_loop3A_71 = arith.constant 1 : i32
      %parallel_loop3A_72:4 = scf.for %parallel_loop3A_201 = %parallel_loop3A to %parallel_loop3A_70 step %parallel_loop3A_71 iter_args(%parallel_loop3A_202 = %broadcast_in_dim3A_69, %parallel_loop3A_203 = %broadcast_in_dim3A_69, %parallel_loop3A_204 = %broadcast_in_dim3A_69, %parallel_loop3A_205 = %broadcast_in_dim3A_69) -> (vector<16xf32>, vector<16xf32>, vector<16xf32>, vector<16xf32>)  : i32 {
        %parallel_loop3A_206 = arith.constant 255 : i32
        %parallel_loop3A_207 = arith.subi %parallel_loop3A_206, %parallel_loop3A_201 : i32
        %parallel_loop3A_208 = arith.constant 16 : i32
        %parallel_loop3A_209 = arith.muli %parallel_loop3A_207, %parallel_loop3A_208 : i32
        %parallel_loop3A_210 = arith.constant 0 : i32
        %parallel_loop3A_211 = arith.index_cast %parallel_loop3A_210 : i32 to index
        %parallel_loop3A_212 = arith.index_cast %parallel_loop3A_209 : i32 to index
        %parallel_loop3A_213 = tpu.vector_load %arg4[%parallel_loop3A_211, %parallel_loop3A_212] {strides = array<i32>} : memref<4x4096xf32, #tpu.memory_space<vmem>>, vector<16xf32>,
        %parallel_loop3A_214 = arith.constant true
        %parallel_loop3A_215 = vector.broadcast %parallel_loop3A_214 : i1 to vector<16xi1>
        %parallel_loop3A_216 = tpu.scan <sum>, %parallel_loop3A_213 masked %parallel_loop3A_215 : vector<16xf32>, vector<16xi1> -> vector<16xf32>
        %parallel_loop3A_217 = vector.shape_cast %broadcast_in_dim3A_3 : vector<16x1xi32> to vector<16xi32>
        %parallel_loop3A_218 = tpu.dynamic_gather %parallel_loop3A_216[%parallel_loop3A_217] in [0] : vector<16xf32>, vector<16xi32> -> vector<16xf32>
        %parallel_loop3A_219 = arith.addf %parallel_loop3A_202, %parallel_loop3A_218 : vector<16xf32>
        %parallel_loop3A_220 = arith.subf %parallel_loop3A_219, %parallel_loop3A_216 : vector<16xf32>
        %parallel_loop3A_221 = arith.addf %parallel_loop3A_220, %parallel_loop3A_213 : vector<16xf32>
        %parallel_loop3A_222 = arith.constant 0 : i32
        %parallel_loop3A_223 = arith.index_cast %parallel_loop3A_222 : i32 to index
        %parallel_loop3A_224 = arith.index_cast %parallel_loop3A_209 : i32 to index
        %parallel_loop3A_225 = tpu.vector_load %arg4[%parallel_loop3A_223, %parallel_loop3A_224] {strides = array<i32>} : memref<4x4096xf32, #tpu.memory_space<vmem>>, vector<16xf32>,
        tpu.vector_store %arg4[%parallel_loop3A_223, %parallel_loop3A_224], %parallel_loop3A_221 {strides = array<i32>} : memref<4x4096xf32, #tpu.memory_space<vmem>>, vector<16xf32>,
        %parallel_loop3A_226 = arith.constant 1 : i32
        %parallel_loop3A_227 = arith.index_cast %parallel_loop3A_226 : i32 to index
        %parallel_loop3A_228 = arith.index_cast %parallel_loop3A_209 : i32 to index
        %parallel_loop3A_229 = tpu.vector_load %arg4[%parallel_loop3A_227, %parallel_loop3A_228] {strides = array<i32>} : memref<4x4096xf32, #tpu.memory_space<vmem>>, vector<16xf32>,
        %parallel_loop3A_230 = arith.constant true
        %parallel_loop3A_231 = vector.broadcast %parallel_loop3A_230 : i1 to vector<16xi1>
        %parallel_loop3A_232 = tpu.scan <sum>, %parallel_loop3A_229 masked %parallel_loop3A_231 : vector<16xf32>, vector<16xi1> -> vector<16xf32>
        %parallel_loop3A_233 = vector.shape_cast %broadcast_in_dim3A_3 : vector<16x1xi32> to vector<16xi32>
        %parallel_loop3A_234 = tpu.dynamic_gather %parallel_loop3A_232[%parallel_loop3A_233] in [0] : vector<16xf32>, vector<16xi32> -> vector<16xf32>
        %parallel_loop3A_235 = arith.addf %parallel_loop3A_203, %parallel_loop3A_234 : vector<16xf32>
        %parallel_loop3A_236 = arith.subf %parallel_loop3A_235, %parallel_loop3A_232 : vector<16xf32>
        %parallel_loop3A_237 = arith.addf %parallel_loop3A_236, %parallel_loop3A_229 : vector<16xf32>
        %parallel_loop3A_238 = arith.constant 1 : i32
        %parallel_loop3A_239 = arith.index_cast %parallel_loop3A_238 : i32 to index
        %parallel_loop3A_240 = arith.index_cast %parallel_loop3A_209 : i32 to index
        %parallel_loop3A_241 = tpu.vector_load %arg4[%parallel_loop3A_239, %parallel_loop3A_240] {strides = array<i32>} : memref<4x4096xf32, #tpu.memory_space<vmem>>, vector<16xf32>,
        tpu.vector_store %arg4[%parallel_loop3A_239, %parallel_loop3A_240], %parallel_loop3A_237 {strides = array<i32>} : memref<4x4096xf32, #tpu.memory_space<vmem>>, vector<16xf32>,
        %parallel_loop3A_242 = arith.constant 2 : i32
        %parallel_loop3A_243 = arith.index_cast %parallel_loop3A_242 : i32 to index
        %parallel_loop3A_244 = arith.index_cast %parallel_loop3A_209 : i32 to index
        %parallel_loop3A_245 = tpu.vector_load %arg4[%parallel_loop3A_243, %parallel_loop3A_244] {strides = array<i32>} : memref<4x4096xf32, #tpu.memory_space<vmem>>, vector<16xf32>,
        %parallel_loop3A_246 = arith.constant true
        %parallel_loop3A_247 = vector.broadcast %parallel_loop3A_246 : i1 to vector<16xi1>
        %parallel_loop3A_248 = tpu.scan <sum>, %parallel_loop3A_245 masked %parallel_loop3A_247 : vector<16xf32>, vector<16xi1> -> vector<16xf32>
        %parallel_loop3A_249 = vector.shape_cast %broadcast_in_dim3A_3 : vector<16x1xi32> to vector<16xi32>
        %parallel_loop3A_250 = tpu.dynamic_gather %parallel_loop3A_248[%parallel_loop3A_249] in [0] : vector<16xf32>, vector<16xi32> -> vector<16xf32>
        %parallel_loop3A_251 = arith.addf %parallel_loop3A_204, %parallel_loop3A_250 : vector<16xf32>
        %parallel_loop3A_252 = arith.subf %parallel_loop3A_251, %parallel_loop3A_248 : vector<16xf32>
        %parallel_loop3A_253 = arith.addf %parallel_loop3A_252, %parallel_loop3A_245 : vector<16xf32>
        %parallel_loop3A_254 = arith.constant 2 : i32
        %parallel_loop3A_255 = arith.index_cast %parallel_loop3A_254 : i32 to index
        %parallel_loop3A_256 = arith.index_cast %parallel_loop3A_209 : i32 to index
        %parallel_loop3A_257 = tpu.vector_load %arg4[%parallel_loop3A_255, %parallel_loop3A_256] {strides = array<i32>} : memref<4x4096xf32, #tpu.memory_space<vmem>>, vector<16xf32>,
        tpu.vector_store %arg4[%parallel_loop3A_255, %parallel_loop3A_256], %parallel_loop3A_253 {strides = array<i32>} : memref<4x4096xf32, #tpu.memory_space<vmem>>, vector<16xf32>,
        %parallel_loop3A_258 = arith.constant 3 : i32
        %parallel_loop3A_259 = arith.index_cast %parallel_loop3A_258 : i32 to index
        %parallel_loop3A_260 = arith.index_cast %parallel_loop3A_209 : i32 to index
        %parallel_loop3A_261 = tpu.vector_load %arg4[%parallel_loop3A_259, %parallel_loop3A_260] {strides = array<i32>} : memref<4x4096xf32, #tpu.memory_space<vmem>>, vector<16xf32>,
        %parallel_loop3A_262 = arith.constant true
        %parallel_loop3A_263 = vector.broadcast %parallel_loop3A_262 : i1 to vector<16xi1>
        %parallel_loop3A_264 = tpu.scan <sum>, %parallel_loop3A_261 masked %parallel_loop3A_263 : vector<16xf32>, vector<16xi1> -> vector<16xf32>
        %parallel_loop3A_265 = vector.shape_cast %broadcast_in_dim3A_3 : vector<16x1xi32> to vector<16xi32>
        %parallel_loop3A_266 = tpu.dynamic_gather %parallel_loop3A_264[%parallel_loop3A_265] in [0] : vector<16xf32>, vector<16xi32> -> vector<16xf32>
        %parallel_loop3A_267 = arith.addf %parallel_loop3A_205, %parallel_loop3A_266 : vector<16xf32>
        %parallel_loop3A_268 = arith.subf %parallel_loop3A_267, %parallel_loop3A_264 : vector<16xf32>
        %parallel_loop3A_269 = arith.addf %parallel_loop3A_268, %parallel_loop3A_261 : vector<16xf32>
        %parallel_loop3A_270 = arith.constant 3 : i32
        %parallel_loop3A_271 = arith.index_cast %parallel_loop3A_270 : i32 to index
        %parallel_loop3A_272 = arith.index_cast %parallel_loop3A_209 : i32 to index
        %parallel_loop3A_273 = tpu.vector_load %arg4[%parallel_loop3A_271, %parallel_loop3A_272] {strides = array<i32>} : memref<4x4096xf32, #tpu.memory_space<vmem>>, vector<16xf32>,
        tpu.vector_store %arg4[%parallel_loop3A_271, %parallel_loop3A_272], %parallel_loop3A_269 {strides = array<i32>} : memref<4x4096xf32, #tpu.memory_space<vmem>>, vector<16xf32>,
        scf.yield %parallel_loop3A_219, %parallel_loop3A_235, %parallel_loop3A_251, %parallel_loop3A_267 : vector<16xf32>, vector<16xf32>, vector<16xf32>, vector<16xf32>
      } {sc.loop_unroll_factor = 16 : i64, sc.parallel_access}
      %mul3A_73 = arith.constant 4 : i32
      %mul3A_74 = arith.muli %add3A_49, %mul3A_73 : i32
      %add3A_75 = arith.addi %mul3A_2, %mul3A_74 : i32
      %dma_start3A_76 = arith.constant 0 : i32
      %dma_start3A_77 = tpu.memref_slice %arg3[%add3A_75, %dma_start3A_76] : memref<16384x4096xf32, #tpu.memory_space<hbm>> -> memref<4x4096xf32, #tpu.memory_space<hbm>>
      %dma_start3A_78 = arith.constant 0 : i32
      %dma_start3A_79 = tpu.memref_slice %arg3[%add3A_75, %dma_start3A_78] : memref<16384x4096xf32, #tpu.memory_space<hbm>> -> memref<4x4096xf32, #tpu.memory_space<hbm>>
      tpu.enqueue_dma source(%arg4 : memref<4x4096xf32, #tpu.memory_space<vmem>>) target(%dma_start3A_79 : memref<4x4096xf32, #tpu.memory_space<hbm>>) target_semaphore(%arg12 : memref<!tpu.dma_semaphore, #tpu.memory_space<semaphore_mem>>)
      %mul3A_80 = arith.constant 4 : i32
      %mul3A_81 = arith.muli %scan3A_44, %mul3A_80 : i32
      %add3A_82 = arith.constant 1 : i32
      %add3A_83 = arith.addi %mul3A_81, %add3A_82 : i32
      %ge3A_84 = arith.constant 2 : i32
      %ge3A_85 = arith.cmpi sge, %add3A_83, %ge3A_84 : i32
      %add3A_86 = arith.constant 2 : i32
      %add3A_87 = arith.addi %add3A_83, %add3A_86 : i32
      %lt3A_88 = arith.constant 128 : i32
      %lt3A_89 = arith.cmpi slt, %add3A_87, %lt3A_88 : i32
      %and3A_90 = arith.andi %ge3A_85, %lt3A_89 : i1
      %convert_element_type3A_91 = arith.extui %and3A_90 : i1 to i32
      %cond3A_92 = arith.constant 0 : i32
      %cond3A_93 = arith.cmpi ne, %convert_element_type3A_91, %cond3A_92 : i32
      scf.if %cond3A_93 {
        %dma_wait3A_201 = arith.constant 0 : i32
        %dma_wait3A_202 = arith.constant 0 : i32
        %dma_wait3A_203 = tpu.memref_slice %arg3[%dma_wait3A_201, %dma_wait3A_202] : memref<16384x4096xf32, #tpu.memory_space<hbm>> -> memref<4x4096xf32, #tpu.memory_space<hbm>>
        %dma_wait3A_204 = arith.constant 0 : i32
        %dma_wait3A_205 = arith.constant 0 : i32
        %dma_wait3A_206 = tpu.memref_slice %arg3[%dma_wait3A_204, %dma_wait3A_205] : memref<16384x4096xf32, #tpu.memory_space<hbm>> -> memref<4x4096xf32, #tpu.memory_space<hbm>>
        tpu.wait_dma2 semaphore(%arg15 : memref<!tpu.dma_semaphore, #tpu.memory_space<semaphore_mem>>) src(%arg7 : memref<4x4096xf32, #tpu.memory_space<vmem>>) dst(%dma_wait3A_206 : memref<4x4096xf32, #tpu.memory_space<hbm>>)
      } else {
      }
      %add3A_94 = arith.constant 2 : i32
      %add3A_95 = arith.addi %add3A_83, %add3A_94 : i32
      %lt3A_96 = arith.constant 128 : i32
      %lt3A_97 = arith.cmpi slt, %add3A_95, %lt3A_96 : i32
      %convert_element_type3A_98 = arith.extui %lt3A_97 : i1 to i32
      %cond3A_99 = arith.constant 0 : i32
      %cond3A_100 = arith.cmpi ne, %convert_element_type3A_98, %cond3A_99 : i32
      scf.if %cond3A_100 {
        %add3A_201 = arith.constant 2 : i32
        %add3A_202 = arith.addi %add3A_83, %add3A_201 : i32
        %mul3A_203 = arith.constant 4 : i32
        %mul3A_204 = arith.muli %add3A_202, %mul3A_203 : i32
        %add3A_205 = arith.addi %mul3A_2, %mul3A_204 : i32
        %dma_start3A_206 = arith.constant 0 : i32
        %dma_start3A_207 = tpu.memref_slice %arg2[%add3A_205, %dma_start3A_206] : memref<16384x4096xf32, #tpu.memory_space<hbm>> -> memref<4x4096xf32, #tpu.memory_space<hbm>>
        %dma_start3A_208 = arith.constant 0 : i32
        %dma_start3A_209 = tpu.memref_slice %arg2[%add3A_205, %dma_start3A_208] : memref<16384x4096xf32, #tpu.memory_space<hbm>> -> memref<4x4096xf32, #tpu.memory_space<hbm>>
        tpu.enqueue_dma source(%dma_start3A_209 : memref<4x4096xf32, #tpu.memory_space<hbm>>) target(%arg7 : memref<4x4096xf32, #tpu.memory_space<vmem>>) target_semaphore(%arg11 : memref<!tpu.dma_semaphore, #tpu.memory_space<semaphore_mem>>)
      } else {
      }
      %dma_wait3A_101 = arith.constant 0 : i32
      %dma_wait3A_102 = arith.constant 0 : i32
      %dma_wait3A_103 = tpu.memref_slice %arg2[%dma_wait3A_101, %dma_wait3A_102] : memref<16384x4096xf32, #tpu.memory_space<hbm>> -> memref<4x4096xf32, #tpu.memory_space<hbm>>
      %dma_wait3A_104 = arith.constant 0 : i32
      %dma_wait3A_105 = arith.constant 0 : i32
      %dma_wait3A_106 = tpu.memref_slice %arg2[%dma_wait3A_104, %dma_wait3A_105] : memref<16384x4096xf32, #tpu.memory_space<hbm>> -> memref<4x4096xf32, #tpu.memory_space<hbm>>
      tpu.wait_dma2 semaphore(%arg9 : memref<!tpu.dma_semaphore, #tpu.memory_space<semaphore_mem>>) src(%dma_wait3A_106 : memref<4x4096xf32, #tpu.memory_space<hbm>>) dst(%arg5 : memref<4x4096xf32, #tpu.memory_space<vmem>>)
      %broadcast_in_dim3A_107 = arith.constant 0.000000e+00 : f32
      %broadcast_in_dim3A_108 = vector.broadcast %broadcast_in_dim3A_107 : f32 to vector<16xf32>
      %parallel_loop3A_109 = arith.constant 0 : i32
      %parallel_loop3A_110 = arith.constant 256 : i32
      %parallel_loop3A_111 = arith.constant 1 : i32
      %parallel_loop3A_112:4 = scf.for %parallel_loop3A_201 = %parallel_loop3A_109 to %parallel_loop3A_110 step %parallel_loop3A_111 iter_args(%parallel_loop3A_202 = %broadcast_in_dim3A_108, %parallel_loop3A_203 = %broadcast_in_dim3A_108, %parallel_loop3A_204 = %broadcast_in_dim3A_108, %parallel_loop3A_205 = %broadcast_in_dim3A_108) -> (vector<16xf32>, vector<16xf32>, vector<16xf32>, vector<16xf32>)  : i32 {
        %parallel_loop3A_206 = arith.constant 255 : i32
        %parallel_loop3A_207 = arith.subi %parallel_loop3A_206, %parallel_loop3A_201 : i32
        %parallel_loop3A_208 = arith.constant 16 : i32
        %parallel_loop3A_209 = arith.muli %parallel_loop3A_207, %parallel_loop3A_208 : i32
        %parallel_loop3A_210 = arith.constant 0 : i32
        %parallel_loop3A_211 = arith.index_cast %parallel_loop3A_210 : i32 to index
        %parallel_loop3A_212 = arith.index_cast %parallel_loop3A_209 : i32 to index
        %parallel_loop3A_213 = tpu.vector_load %arg5[%parallel_loop3A_211, %parallel_loop3A_212] {strides = array<i32>} : memref<4x4096xf32, #tpu.memory_space<vmem>>, vector<16xf32>,
        %parallel_loop3A_214 = arith.constant true
        %parallel_loop3A_215 = vector.broadcast %parallel_loop3A_214 : i1 to vector<16xi1>
        %parallel_loop3A_216 = tpu.scan <sum>, %parallel_loop3A_213 masked %parallel_loop3A_215 : vector<16xf32>, vector<16xi1> -> vector<16xf32>
        %parallel_loop3A_217 = vector.shape_cast %broadcast_in_dim3A_3 : vector<16x1xi32> to vector<16xi32>
        %parallel_loop3A_218 = tpu.dynamic_gather %parallel_loop3A_216[%parallel_loop3A_217] in [0] : vector<16xf32>, vector<16xi32> -> vector<16xf32>
        %parallel_loop3A_219 = arith.addf %parallel_loop3A_202, %parallel_loop3A_218 : vector<16xf32>
        %parallel_loop3A_220 = arith.subf %parallel_loop3A_219, %parallel_loop3A_216 : vector<16xf32>
        %parallel_loop3A_221 = arith.addf %parallel_loop3A_220, %parallel_loop3A_213 : vector<16xf32>
        %parallel_loop3A_222 = arith.constant 0 : i32
        %parallel_loop3A_223 = arith.index_cast %parallel_loop3A_222 : i32 to index
        %parallel_loop3A_224 = arith.index_cast %parallel_loop3A_209 : i32 to index
        %parallel_loop3A_225 = tpu.vector_load %arg5[%parallel_loop3A_223, %parallel_loop3A_224] {strides = array<i32>} : memref<4x4096xf32, #tpu.memory_space<vmem>>, vector<16xf32>,
        tpu.vector_store %arg5[%parallel_loop3A_223, %parallel_loop3A_224], %parallel_loop3A_221 {strides = array<i32>} : memref<4x4096xf32, #tpu.memory_space<vmem>>, vector<16xf32>,
        %parallel_loop3A_226 = arith.constant 1 : i32
        %parallel_loop3A_227 = arith.index_cast %parallel_loop3A_226 : i32 to index
        %parallel_loop3A_228 = arith.index_cast %parallel_loop3A_209 : i32 to index
        %parallel_loop3A_229 = tpu.vector_load %arg5[%parallel_loop3A_227, %parallel_loop3A_228] {strides = array<i32>} : memref<4x4096xf32, #tpu.memory_space<vmem>>, vector<16xf32>,
        %parallel_loop3A_230 = arith.constant true
        %parallel_loop3A_231 = vector.broadcast %parallel_loop3A_230 : i1 to vector<16xi1>
        %parallel_loop3A_232 = tpu.scan <sum>, %parallel_loop3A_229 masked %parallel_loop3A_231 : vector<16xf32>, vector<16xi1> -> vector<16xf32>
        %parallel_loop3A_233 = vector.shape_cast %broadcast_in_dim3A_3 : vector<16x1xi32> to vector<16xi32>
        %parallel_loop3A_234 = tpu.dynamic_gather %parallel_loop3A_232[%parallel_loop3A_233] in [0] : vector<16xf32>, vector<16xi32> -> vector<16xf32>
        %parallel_loop3A_235 = arith.addf %parallel_loop3A_203, %parallel_loop3A_234 : vector<16xf32>
        %parallel_loop3A_236 = arith.subf %parallel_loop3A_235, %parallel_loop3A_232 : vector<16xf32>
        %parallel_loop3A_237 = arith.addf %parallel_loop3A_236, %parallel_loop3A_229 : vector<16xf32>
        %parallel_loop3A_238 = arith.constant 1 : i32
        %parallel_loop3A_239 = arith.index_cast %parallel_loop3A_238 : i32 to index
        %parallel_loop3A_240 = arith.index_cast %parallel_loop3A_209 : i32 to index
        %parallel_loop3A_241 = tpu.vector_load %arg5[%parallel_loop3A_239, %parallel_loop3A_240] {strides = array<i32>} : memref<4x4096xf32, #tpu.memory_space<vmem>>, vector<16xf32>,
        tpu.vector_store %arg5[%parallel_loop3A_239, %parallel_loop3A_240], %parallel_loop3A_237 {strides = array<i32>} : memref<4x4096xf32, #tpu.memory_space<vmem>>, vector<16xf32>,
        %parallel_loop3A_242 = arith.constant 2 : i32
        %parallel_loop3A_243 = arith.index_cast %parallel_loop3A_242 : i32 to index
        %parallel_loop3A_244 = arith.index_cast %parallel_loop3A_209 : i32 to index
        %parallel_loop3A_245 = tpu.vector_load %arg5[%parallel_loop3A_243, %parallel_loop3A_244] {strides = array<i32>} : memref<4x4096xf32, #tpu.memory_space<vmem>>, vector<16xf32>,
        %parallel_loop3A_246 = arith.constant true
        %parallel_loop3A_247 = vector.broadcast %parallel_loop3A_246 : i1 to vector<16xi1>
        %parallel_loop3A_248 = tpu.scan <sum>, %parallel_loop3A_245 masked %parallel_loop3A_247 : vector<16xf32>, vector<16xi1> -> vector<16xf32>
        %parallel_loop3A_249 = vector.shape_cast %broadcast_in_dim3A_3 : vector<16x1xi32> to vector<16xi32>
        %parallel_loop3A_250 = tpu.dynamic_gather %parallel_loop3A_248[%parallel_loop3A_249] in [0] : vector<16xf32>, vector<16xi32> -> vector<16xf32>
        %parallel_loop3A_251 = arith.addf %parallel_loop3A_204, %parallel_loop3A_250 : vector<16xf32>
        %parallel_loop3A_252 = arith.subf %parallel_loop3A_251, %parallel_loop3A_248 : vector<16xf32>
        %parallel_loop3A_253 = arith.addf %parallel_loop3A_252, %parallel_loop3A_245 : vector<16xf32>
        %parallel_loop3A_254 = arith.constant 2 : i32
        %parallel_loop3A_255 = arith.index_cast %parallel_loop3A_254 : i32 to index
        %parallel_loop3A_256 = arith.index_cast %parallel_loop3A_209 : i32 to index
        %parallel_loop3A_257 = tpu.vector_load %arg5[%parallel_loop3A_255, %parallel_loop3A_256] {strides = array<i32>} : memref<4x4096xf32, #tpu.memory_space<vmem>>, vector<16xf32>,
        tpu.vector_store %arg5[%parallel_loop3A_255, %parallel_loop3A_256], %parallel_loop3A_253 {strides = array<i32>} : memref<4x4096xf32, #tpu.memory_space<vmem>>, vector<16xf32>,
        %parallel_loop3A_258 = arith.constant 3 : i32
        %parallel_loop3A_259 = arith.index_cast %parallel_loop3A_258 : i32 to index
        %parallel_loop3A_260 = arith.index_cast %parallel_loop3A_209 : i32 to index
        %parallel_loop3A_261 = tpu.vector_load %arg5[%parallel_loop3A_259, %parallel_loop3A_260] {strides = array<i32>} : memref<4x4096xf32, #tpu.memory_space<vmem>>, vector<16xf32>,
        %parallel_loop3A_262 = arith.constant true
        %parallel_loop3A_263 = vector.broadcast %parallel_loop3A_262 : i1 to vector<16xi1>
        %parallel_loop3A_264 = tpu.scan <sum>, %parallel_loop3A_261 masked %parallel_loop3A_263 : vector<16xf32>, vector<16xi1> -> vector<16xf32>
        %parallel_loop3A_265 = vector.shape_cast %broadcast_in_dim3A_3 : vector<16x1xi32> to vector<16xi32>
        %parallel_loop3A_266 = tpu.dynamic_gather %parallel_loop3A_264[%parallel_loop3A_265] in [0] : vector<16xf32>, vector<16xi32> -> vector<16xf32>
        %parallel_loop3A_267 = arith.addf %parallel_loop3A_205, %parallel_loop3A_266 : vector<16xf32>
        %parallel_loop3A_268 = arith.subf %parallel_loop3A_267, %parallel_loop3A_264 : vector<16xf32>
        %parallel_loop3A_269 = arith.addf %parallel_loop3A_268, %parallel_loop3A_261 : vector<16xf32>
        %parallel_loop3A_270 = arith.constant 3 : i32
        %parallel_loop3A_271 = arith.index_cast %parallel_loop3A_270 : i32 to index
        %parallel_loop3A_272 = arith.index_cast %parallel_loop3A_209 : i32 to index
        %parallel_loop3A_273 = tpu.vector_load %arg5[%parallel_loop3A_271, %parallel_loop3A_272] {strides = array<i32>} : memref<4x4096xf32, #tpu.memory_space<vmem>>, vector<16xf32>,
        tpu.vector_store %arg5[%parallel_loop3A_271, %parallel_loop3A_272], %parallel_loop3A_269 {strides = array<i32>} : memref<4x4096xf32, #tpu.memory_space<vmem>>, vector<16xf32>,
        scf.yield %parallel_loop3A_219, %parallel_loop3A_235, %parallel_loop3A_251, %parallel_loop3A_267 : vector<16xf32>, vector<16xf32>, vector<16xf32>, vector<16xf32>
      } {sc.loop_unroll_factor = 16 : i64, sc.parallel_access}
      %mul3A_113 = arith.constant 4 : i32
      %mul3A_114 = arith.muli %add3A_83, %mul3A_113 : i32
      %add3A_115 = arith.addi %mul3A_2, %mul3A_114 : i32
      %dma_start3A_116 = arith.constant 0 : i32
      %dma_start3A_117 = tpu.memref_slice %arg3[%add3A_115, %dma_start3A_116] : memref<16384x4096xf32, #tpu.memory_space<hbm>> -> memref<4x4096xf32, #tpu.memory_space<hbm>>
      %dma_start3A_118 = arith.constant 0 : i32
      %dma_start3A_119 = tpu.memref_slice %arg3[%add3A_115, %dma_start3A_118] : memref<16384x4096xf32, #tpu.memory_space<hbm>> -> memref<4x4096xf32, #tpu.memory_space<hbm>>
      tpu.enqueue_dma source(%arg5 : memref<4x4096xf32, #tpu.memory_space<vmem>>) target(%dma_start3A_119 : memref<4x4096xf32, #tpu.memory_space<hbm>>) target_semaphore(%arg13 : memref<!tpu.dma_semaphore, #tpu.memory_space<semaphore_mem>>)
      %mul3A_120 = arith.constant 4 : i32
      %mul3A_121 = arith.muli %scan3A_44, %mul3A_120 : i32
      %add3A_122 = arith.constant 2 : i32
      %add3A_123 = arith.addi %mul3A_121, %add3A_122 : i32
      %ge3A_124 = arith.constant 2 : i32
      %ge3A_125 = arith.cmpi sge, %add3A_123, %ge3A_124 : i32
      %add3A_126 = arith.constant 2 : i32
      %add3A_127 = arith.addi %add3A_123, %add3A_126 : i32
      %lt3A_128 = arith.constant 128 : i32
      %lt3A_129 = arith.cmpi slt, %add3A_127, %lt3A_128 : i32
      %and3A_130 = arith.andi %ge3A_125, %lt3A_129 : i1
      %convert_element_type3A_131 = arith.extui %and3A_130 : i1 to i32
      %cond3A_132 = arith.constant 0 : i32
      %cond3A_133 = arith.cmpi ne, %convert_element_type3A_131, %cond3A_132 : i32
      scf.if %cond3A_133 {
        %dma_wait3A_201 = arith.constant 0 : i32
        %dma_wait3A_202 = arith.constant 0 : i32
        %dma_wait3A_203 = tpu.memref_slice %arg3[%dma_wait3A_201, %dma_wait3A_202] : memref<16384x4096xf32, #tpu.memory_space<hbm>> -> memref<4x4096xf32, #tpu.memory_space<hbm>>
        %dma_wait3A_204 = arith.constant 0 : i32
        %dma_wait3A_205 = arith.constant 0 : i32
        %dma_wait3A_206 = tpu.memref_slice %arg3[%dma_wait3A_204, %dma_wait3A_205] : memref<16384x4096xf32, #tpu.memory_space<hbm>> -> memref<4x4096xf32, #tpu.memory_space<hbm>>
        tpu.wait_dma2 semaphore(%arg12 : memref<!tpu.dma_semaphore, #tpu.memory_space<semaphore_mem>>) src(%arg4 : memref<4x4096xf32, #tpu.memory_space<vmem>>) dst(%dma_wait3A_206 : memref<4x4096xf32, #tpu.memory_space<hbm>>)
      } else {
      }
      %add3A_134 = arith.constant 2 : i32
      %add3A_135 = arith.addi %add3A_123, %add3A_134 : i32
      %lt3A_136 = arith.constant 128 : i32
      %lt3A_137 = arith.cmpi slt, %add3A_135, %lt3A_136 : i32
      %convert_element_type3A_138 = arith.extui %lt3A_137 : i1 to i32
      %cond3A_139 = arith.constant 0 : i32
      %cond3A_140 = arith.cmpi ne, %convert_element_type3A_138, %cond3A_139 : i32
      scf.if %cond3A_140 {
        %add3A_201 = arith.constant 2 : i32
        %add3A_202 = arith.addi %add3A_123, %add3A_201 : i32
        %mul3A_203 = arith.constant 4 : i32
        %mul3A_204 = arith.muli %add3A_202, %mul3A_203 : i32
        %add3A_205 = arith.addi %mul3A_2, %mul3A_204 : i32
        %dma_start3A_206 = arith.constant 0 : i32
        %dma_start3A_207 = tpu.memref_slice %arg2[%add3A_205, %dma_start3A_206] : memref<16384x4096xf32, #tpu.memory_space<hbm>> -> memref<4x4096xf32, #tpu.memory_space<hbm>>
        %dma_start3A_208 = arith.constant 0 : i32
        %dma_start3A_209 = tpu.memref_slice %arg2[%add3A_205, %dma_start3A_208] : memref<16384x4096xf32, #tpu.memory_space<hbm>> -> memref<4x4096xf32, #tpu.memory_space<hbm>>
        tpu.enqueue_dma source(%dma_start3A_209 : memref<4x4096xf32, #tpu.memory_space<hbm>>) target(%arg4 : memref<4x4096xf32, #tpu.memory_space<vmem>>) target_semaphore(%arg8 : memref<!tpu.dma_semaphore, #tpu.memory_space<semaphore_mem>>)
      } else {
      }
      %dma_wait3A_141 = arith.constant 0 : i32
      %dma_wait3A_142 = arith.constant 0 : i32
      %dma_wait3A_143 = tpu.memref_slice %arg2[%dma_wait3A_141, %dma_wait3A_142] : memref<16384x4096xf32, #tpu.memory_space<hbm>> -> memref<4x4096xf32, #tpu.memory_space<hbm>>
      %dma_wait3A_144 = arith.constant 0 : i32
      %dma_wait3A_145 = arith.constant 0 : i32
      %dma_wait3A_146 = tpu.memref_slice %arg2[%dma_wait3A_144, %dma_wait3A_145] : memref<16384x4096xf32, #tpu.memory_space<hbm>> -> memref<4x4096xf32, #tpu.memory_space<hbm>>
      tpu.wait_dma2 semaphore(%arg10 : memref<!tpu.dma_semaphore, #tpu.memory_space<semaphore_mem>>) src(%dma_wait3A_146 : memref<4x4096xf32, #tpu.memory_space<hbm>>) dst(%arg6 : memref<4x4096xf32, #tpu.memory_space<vmem>>)
      %broadcast_in_dim3A_147 = arith.constant 0.000000e+00 : f32
      %broadcast_in_dim3A_148 = vector.broadcast %broadcast_in_dim3A_147 : f32 to vector<16xf32>
      %parallel_loop3A_149 = arith.constant 0 : i32
      %parallel_loop3A_150 = arith.constant 256 : i32
      %parallel_loop3A_151 = arith.constant 1 : i32
      %parallel_loop3A_152:4 = scf.for %parallel_loop3A_201 = %parallel_loop3A_149 to %parallel_loop3A_150 step %parallel_loop3A_151 iter_args(%parallel_loop3A_202 = %broadcast_in_dim3A_148, %parallel_loop3A_203 = %broadcast_in_dim3A_148, %parallel_loop3A_204 = %broadcast_in_dim3A_148, %parallel_loop3A_205 = %broadcast_in_dim3A_148) -> (vector<16xf32>, vector<16xf32>, vector<16xf32>, vector<16xf32>)  : i32 {
        %parallel_loop3A_206 = arith.constant 255 : i32
        %parallel_loop3A_207 = arith.subi %parallel_loop3A_206, %parallel_loop3A_201 : i32
        %parallel_loop3A_208 = arith.constant 16 : i32
        %parallel_loop3A_209 = arith.muli %parallel_loop3A_207, %parallel_loop3A_208 : i32
        %parallel_loop3A_210 = arith.constant 0 : i32
        %parallel_loop3A_211 = arith.index_cast %parallel_loop3A_210 : i32 to index
        %parallel_loop3A_212 = arith.index_cast %parallel_loop3A_209 : i32 to index
        %parallel_loop3A_213 = tpu.vector_load %arg6[%parallel_loop3A_211, %parallel_loop3A_212] {strides = array<i32>} : memref<4x4096xf32, #tpu.memory_space<vmem>>, vector<16xf32>,
        %parallel_loop3A_214 = arith.constant true
        %parallel_loop3A_215 = vector.broadcast %parallel_loop3A_214 : i1 to vector<16xi1>
        %parallel_loop3A_216 = tpu.scan <sum>, %parallel_loop3A_213 masked %parallel_loop3A_215 : vector<16xf32>, vector<16xi1> -> vector<16xf32>
        %parallel_loop3A_217 = vector.shape_cast %broadcast_in_dim3A_3 : vector<16x1xi32> to vector<16xi32>
        %parallel_loop3A_218 = tpu.dynamic_gather %parallel_loop3A_216[%parallel_loop3A_217] in [0] : vector<16xf32>, vector<16xi32> -> vector<16xf32>
        %parallel_loop3A_219 = arith.addf %parallel_loop3A_202, %parallel_loop3A_218 : vector<16xf32>
        %parallel_loop3A_220 = arith.subf %parallel_loop3A_219, %parallel_loop3A_216 : vector<16xf32>
        %parallel_loop3A_221 = arith.addf %parallel_loop3A_220, %parallel_loop3A_213 : vector<16xf32>
        %parallel_loop3A_222 = arith.constant 0 : i32
        %parallel_loop3A_223 = arith.index_cast %parallel_loop3A_222 : i32 to index
        %parallel_loop3A_224 = arith.index_cast %parallel_loop3A_209 : i32 to index
        %parallel_loop3A_225 = tpu.vector_load %arg6[%parallel_loop3A_223, %parallel_loop3A_224] {strides = array<i32>} : memref<4x4096xf32, #tpu.memory_space<vmem>>, vector<16xf32>,
        tpu.vector_store %arg6[%parallel_loop3A_223, %parallel_loop3A_224], %parallel_loop3A_221 {strides = array<i32>} : memref<4x4096xf32, #tpu.memory_space<vmem>>, vector<16xf32>,
        %parallel_loop3A_226 = arith.constant 1 : i32
        %parallel_loop3A_227 = arith.index_cast %parallel_loop3A_226 : i32 to index
        %parallel_loop3A_228 = arith.index_cast %parallel_loop3A_209 : i32 to index
        %parallel_loop3A_229 = tpu.vector_load %arg6[%parallel_loop3A_227, %parallel_loop3A_228] {strides = array<i32>} : memref<4x4096xf32, #tpu.memory_space<vmem>>, vector<16xf32>,
        %parallel_loop3A_230 = arith.constant true
        %parallel_loop3A_231 = vector.broadcast %parallel_loop3A_230 : i1 to vector<16xi1>
        %parallel_loop3A_232 = tpu.scan <sum>, %parallel_loop3A_229 masked %parallel_loop3A_231 : vector<16xf32>, vector<16xi1> -> vector<16xf32>
        %parallel_loop3A_233 = vector.shape_cast %broadcast_in_dim3A_3 : vector<16x1xi32> to vector<16xi32>
        %parallel_loop3A_234 = tpu.dynamic_gather %parallel_loop3A_232[%parallel_loop3A_233] in [0] : vector<16xf32>, vector<16xi32> -> vector<16xf32>
        %parallel_loop3A_235 = arith.addf %parallel_loop3A_203, %parallel_loop3A_234 : vector<16xf32>
        %parallel_loop3A_236 = arith.subf %parallel_loop3A_235, %parallel_loop3A_232 : vector<16xf32>
        %parallel_loop3A_237 = arith.addf %parallel_loop3A_236, %parallel_loop3A_229 : vector<16xf32>
        %parallel_loop3A_238 = arith.constant 1 : i32
        %parallel_loop3A_239 = arith.index_cast %parallel_loop3A_238 : i32 to index
        %parallel_loop3A_240 = arith.index_cast %parallel_loop3A_209 : i32 to index
        %parallel_loop3A_241 = tpu.vector_load %arg6[%parallel_loop3A_239, %parallel_loop3A_240] {strides = array<i32>} : memref<4x4096xf32, #tpu.memory_space<vmem>>, vector<16xf32>,
        tpu.vector_store %arg6[%parallel_loop3A_239, %parallel_loop3A_240], %parallel_loop3A_237 {strides = array<i32>} : memref<4x4096xf32, #tpu.memory_space<vmem>>, vector<16xf32>,
        %parallel_loop3A_242 = arith.constant 2 : i32
        %parallel_loop3A_243 = arith.index_cast %parallel_loop3A_242 : i32 to index
        %parallel_loop3A_244 = arith.index_cast %parallel_loop3A_209 : i32 to index
        %parallel_loop3A_245 = tpu.vector_load %arg6[%parallel_loop3A_243, %parallel_loop3A_244] {strides = array<i32>} : memref<4x4096xf32, #tpu.memory_space<vmem>>, vector<16xf32>,
        %parallel_loop3A_246 = arith.constant true
        %parallel_loop3A_247 = vector.broadcast %parallel_loop3A_246 : i1 to vector<16xi1>
        %parallel_loop3A_248 = tpu.scan <sum>, %parallel_loop3A_245 masked %parallel_loop3A_247 : vector<16xf32>, vector<16xi1> -> vector<16xf32>
        %parallel_loop3A_249 = vector.shape_cast %broadcast_in_dim3A_3 : vector<16x1xi32> to vector<16xi32>
        %parallel_loop3A_250 = tpu.dynamic_gather %parallel_loop3A_248[%parallel_loop3A_249] in [0] : vector<16xf32>, vector<16xi32> -> vector<16xf32>
        %parallel_loop3A_251 = arith.addf %parallel_loop3A_204, %parallel_loop3A_250 : vector<16xf32>
        %parallel_loop3A_252 = arith.subf %parallel_loop3A_251, %parallel_loop3A_248 : vector<16xf32>
        %parallel_loop3A_253 = arith.addf %parallel_loop3A_252, %parallel_loop3A_245 : vector<16xf32>
        %parallel_loop3A_254 = arith.constant 2 : i32
        %parallel_loop3A_255 = arith.index_cast %parallel_loop3A_254 : i32 to index
        %parallel_loop3A_256 = arith.index_cast %parallel_loop3A_209 : i32 to index
        %parallel_loop3A_257 = tpu.vector_load %arg6[%parallel_loop3A_255, %parallel_loop3A_256] {strides = array<i32>} : memref<4x4096xf32, #tpu.memory_space<vmem>>, vector<16xf32>,
        tpu.vector_store %arg6[%parallel_loop3A_255, %parallel_loop3A_256], %parallel_loop3A_253 {strides = array<i32>} : memref<4x4096xf32, #tpu.memory_space<vmem>>, vector<16xf32>,
        %parallel_loop3A_258 = arith.constant 3 : i32
        %parallel_loop3A_259 = arith.index_cast %parallel_loop3A_258 : i32 to index
        %parallel_loop3A_260 = arith.index_cast %parallel_loop3A_209 : i32 to index
        %parallel_loop3A_261 = tpu.vector_load %arg6[%parallel_loop3A_259, %parallel_loop3A_260] {strides = array<i32>} : memref<4x4096xf32, #tpu.memory_space<vmem>>, vector<16xf32>,
        %parallel_loop3A_262 = arith.constant true
        %parallel_loop3A_263 = vector.broadcast %parallel_loop3A_262 : i1 to vector<16xi1>
        %parallel_loop3A_264 = tpu.scan <sum>, %parallel_loop3A_261 masked %parallel_loop3A_263 : vector<16xf32>, vector<16xi1> -> vector<16xf32>
        %parallel_loop3A_265 = vector.shape_cast %broadcast_in_dim3A_3 : vector<16x1xi32> to vector<16xi32>
        %parallel_loop3A_266 = tpu.dynamic_gather %parallel_loop3A_264[%parallel_loop3A_265] in [0] : vector<16xf32>, vector<16xi32> -> vector<16xf32>
        %parallel_loop3A_267 = arith.addf %parallel_loop3A_205, %parallel_loop3A_266 : vector<16xf32>
        %parallel_loop3A_268 = arith.subf %parallel_loop3A_267, %parallel_loop3A_264 : vector<16xf32>
        %parallel_loop3A_269 = arith.addf %parallel_loop3A_268, %parallel_loop3A_261 : vector<16xf32>
        %parallel_loop3A_270 = arith.constant 3 : i32
        %parallel_loop3A_271 = arith.index_cast %parallel_loop3A_270 : i32 to index
        %parallel_loop3A_272 = arith.index_cast %parallel_loop3A_209 : i32 to index
        %parallel_loop3A_273 = tpu.vector_load %arg6[%parallel_loop3A_271, %parallel_loop3A_272] {strides = array<i32>} : memref<4x4096xf32, #tpu.memory_space<vmem>>, vector<16xf32>,
        tpu.vector_store %arg6[%parallel_loop3A_271, %parallel_loop3A_272], %parallel_loop3A_269 {strides = array<i32>} : memref<4x4096xf32, #tpu.memory_space<vmem>>, vector<16xf32>,
        scf.yield %parallel_loop3A_219, %parallel_loop3A_235, %parallel_loop3A_251, %parallel_loop3A_267 : vector<16xf32>, vector<16xf32>, vector<16xf32>, vector<16xf32>
      } {sc.loop_unroll_factor = 16 : i64, sc.parallel_access}
      %mul3A_153 = arith.constant 4 : i32
      %mul3A_154 = arith.muli %add3A_123, %mul3A_153 : i32
      %add3A_155 = arith.addi %mul3A_2, %mul3A_154 : i32
      %dma_start3A_156 = arith.constant 0 : i32
      %dma_start3A_157 = tpu.memref_slice %arg3[%add3A_155, %dma_start3A_156] : memref<16384x4096xf32, #tpu.memory_space<hbm>> -> memref<4x4096xf32, #tpu.memory_space<hbm>>
      %dma_start3A_158 = arith.constant 0 : i32
      %dma_start3A_159 = tpu.memref_slice %arg3[%add3A_155, %dma_start3A_158] : memref<16384x4096xf32, #tpu.memory_space<hbm>> -> memref<4x4096xf32, #tpu.memory_space<hbm>>
      tpu.enqueue_dma source(%arg6 : memref<4x4096xf32, #tpu.memory_space<vmem>>) target(%dma_start3A_159 : memref<4x4096xf32, #tpu.memory_space<hbm>>) target_semaphore(%arg14 : memref<!tpu.dma_semaphore, #tpu.memory_space<semaphore_mem>>)
      %mul3A_160 = arith.constant 4 : i32
      %mul3A_161 = arith.muli %scan3A_44, %mul3A_160 : i32
      %add3A_162 = arith.constant 3 : i32
      %add3A_163 = arith.addi %mul3A_161, %add3A_162 : i32
      %ge3A_164 = arith.constant 2 : i32
      %ge3A_165 = arith.cmpi sge, %add3A_163, %ge3A_164 : i32
      %add3A_166 = arith.constant 2 : i32
      %add3A_167 = arith.addi %add3A_163, %add3A_166 : i32
      %lt3A_168 = arith.constant 128 : i32
      %lt3A_169 = arith.cmpi slt, %add3A_167, %lt3A_168 : i32
      %and3A_170 = arith.andi %ge3A_165, %lt3A_169 : i1
      %convert_element_type3A_171 = arith.extui %and3A_170 : i1 to i32
      %cond3A_172 = arith.constant 0 : i32
      %cond3A_173 = arith.cmpi ne, %convert_element_type3A_171, %cond3A_172 : i32
      scf.if %cond3A_173 {
        %dma_wait3A_201 = arith.constant 0 : i32
        %dma_wait3A_202 = arith.constant 0 : i32
        %dma_wait3A_203 = tpu.memref_slice %arg3[%dma_wait3A_201, %dma_wait3A_202] : memref<16384x4096xf32, #tpu.memory_space<hbm>> -> memref<4x4096xf32, #tpu.memory_space<hbm>>
        %dma_wait3A_204 = arith.constant 0 : i32
        %dma_wait3A_205 = arith.constant 0 : i32
        %dma_wait3A_206 = tpu.memref_slice %arg3[%dma_wait3A_204, %dma_wait3A_205] : memref<16384x4096xf32, #tpu.memory_space<hbm>> -> memref<4x4096xf32, #tpu.memory_space<hbm>>
        tpu.wait_dma2 semaphore(%arg13 : memref<!tpu.dma_semaphore, #tpu.memory_space<semaphore_mem>>) src(%arg5 : memref<4x4096xf32, #tpu.memory_space<vmem>>) dst(%dma_wait3A_206 : memref<4x4096xf32, #tpu.memory_space<hbm>>)
      } else {
      }
      %add3A_174 = arith.constant 2 : i32
      %add3A_175 = arith.addi %add3A_163, %add3A_174 : i32
      %lt3A_176 = arith.constant 128 : i32
      %lt3A_177 = arith.cmpi slt, %add3A_175, %lt3A_176 : i32
      %convert_element_type3A_178 = arith.extui %lt3A_177 : i1 to i32
      %cond3A_179 = arith.constant 0 : i32
      %cond3A_180 = arith.cmpi ne, %convert_element_type3A_178, %cond3A_179 : i32
      scf.if %cond3A_180 {
        %add3A_201 = arith.constant 2 : i32
        %add3A_202 = arith.addi %add3A_163, %add3A_201 : i32
        %mul3A_203 = arith.constant 4 : i32
        %mul3A_204 = arith.muli %add3A_202, %mul3A_203 : i32
        %add3A_205 = arith.addi %mul3A_2, %mul3A_204 : i32
        %dma_start3A_206 = arith.constant 0 : i32
        %dma_start3A_207 = tpu.memref_slice %arg2[%add3A_205, %dma_start3A_206] : memref<16384x4096xf32, #tpu.memory_space<hbm>> -> memref<4x4096xf32, #tpu.memory_space<hbm>>
        %dma_start3A_208 = arith.constant 0 : i32
        %dma_start3A_209 = tpu.memref_slice %arg2[%add3A_205, %dma_start3A_208] : memref<16384x4096xf32, #tpu.memory_space<hbm>> -> memref<4x4096xf32, #tpu.memory_space<hbm>>
        tpu.enqueue_dma source(%dma_start3A_209 : memref<4x4096xf32, #tpu.memory_space<hbm>>) target(%arg5 : memref<4x4096xf32, #tpu.memory_space<vmem>>) target_semaphore(%arg9 : memref<!tpu.dma_semaphore, #tpu.memory_space<semaphore_mem>>)
      } else {
      }
      %dma_wait3A_181 = arith.constant 0 : i32
      %dma_wait3A_182 = arith.constant 0 : i32
      %dma_wait3A_183 = tpu.memref_slice %arg2[%dma_wait3A_181, %dma_wait3A_182] : memref<16384x4096xf32, #tpu.memory_space<hbm>> -> memref<4x4096xf32, #tpu.memory_space<hbm>>
      %dma_wait3A_184 = arith.constant 0 : i32
      %dma_wait3A_185 = arith.constant 0 : i32
      %dma_wait3A_186 = tpu.memref_slice %arg2[%dma_wait3A_184, %dma_wait3A_185] : memref<16384x4096xf32, #tpu.memory_space<hbm>> -> memref<4x4096xf32, #tpu.memory_space<hbm>>
      tpu.wait_dma2 semaphore(%arg11 : memref<!tpu.dma_semaphore, #tpu.memory_space<semaphore_mem>>) src(%dma_wait3A_186 : memref<4x4096xf32, #tpu.memory_space<hbm>>) dst(%arg7 : memref<4x4096xf32, #tpu.memory_space<vmem>>)
      %broadcast_in_dim3A_187 = arith.constant 0.000000e+00 : f32
      %broadcast_in_dim3A_188 = vector.broadcast %broadcast_in_dim3A_187 : f32 to vector<16xf32>
      %parallel_loop3A_189 = arith.constant 0 : i32
      %parallel_loop3A_190 = arith.constant 256 : i32
      %parallel_loop3A_191 = arith.constant 1 : i32
      %parallel_loop3A_192:4 = scf.for %parallel_loop3A_201 = %parallel_loop3A_189 to %parallel_loop3A_190 step %parallel_loop3A_191 iter_args(%parallel_loop3A_202 = %broadcast_in_dim3A_188, %parallel_loop3A_203 = %broadcast_in_dim3A_188, %parallel_loop3A_204 = %broadcast_in_dim3A_188, %parallel_loop3A_205 = %broadcast_in_dim3A_188) -> (vector<16xf32>, vector<16xf32>, vector<16xf32>, vector<16xf32>)  : i32 {
        %parallel_loop3A_206 = arith.constant 255 : i32
        %parallel_loop3A_207 = arith.subi %parallel_loop3A_206, %parallel_loop3A_201 : i32
        %parallel_loop3A_208 = arith.constant 16 : i32
        %parallel_loop3A_209 = arith.muli %parallel_loop3A_207, %parallel_loop3A_208 : i32
        %parallel_loop3A_210 = arith.constant 0 : i32
        %parallel_loop3A_211 = arith.index_cast %parallel_loop3A_210 : i32 to index
        %parallel_loop3A_212 = arith.index_cast %parallel_loop3A_209 : i32 to index
        %parallel_loop3A_213 = tpu.vector_load %arg7[%parallel_loop3A_211, %parallel_loop3A_212] {strides = array<i32>} : memref<4x4096xf32, #tpu.memory_space<vmem>>, vector<16xf32>,
        %parallel_loop3A_214 = arith.constant true
        %parallel_loop3A_215 = vector.broadcast %parallel_loop3A_214 : i1 to vector<16xi1>
        %parallel_loop3A_216 = tpu.scan <sum>, %parallel_loop3A_213 masked %parallel_loop3A_215 : vector<16xf32>, vector<16xi1> -> vector<16xf32>
        %parallel_loop3A_217 = vector.shape_cast %broadcast_in_dim3A_3 : vector<16x1xi32> to vector<16xi32>
        %parallel_loop3A_218 = tpu.dynamic_gather %parallel_loop3A_216[%parallel_loop3A_217] in [0] : vector<16xf32>, vector<16xi32> -> vector<16xf32>
        %parallel_loop3A_219 = arith.addf %parallel_loop3A_202, %parallel_loop3A_218 : vector<16xf32>
        %parallel_loop3A_220 = arith.subf %parallel_loop3A_219, %parallel_loop3A_216 : vector<16xf32>
        %parallel_loop3A_221 = arith.addf %parallel_loop3A_220, %parallel_loop3A_213 : vector<16xf32>
        %parallel_loop3A_222 = arith.constant 0 : i32
        %parallel_loop3A_223 = arith.index_cast %parallel_loop3A_222 : i32 to index
        %parallel_loop3A_224 = arith.index_cast %parallel_loop3A_209 : i32 to index
        %parallel_loop3A_225 = tpu.vector_load %arg7[%parallel_loop3A_223, %parallel_loop3A_224] {strides = array<i32>} : memref<4x4096xf32, #tpu.memory_space<vmem>>, vector<16xf32>,
        tpu.vector_store %arg7[%parallel_loop3A_223, %parallel_loop3A_224], %parallel_loop3A_221 {strides = array<i32>} : memref<4x4096xf32, #tpu.memory_space<vmem>>, vector<16xf32>,
        %parallel_loop3A_226 = arith.constant 1 : i32
        %parallel_loop3A_227 = arith.index_cast %parallel_loop3A_226 : i32 to index
        %parallel_loop3A_228 = arith.index_cast %parallel_loop3A_209 : i32 to index
        %parallel_loop3A_229 = tpu.vector_load %arg7[%parallel_loop3A_227, %parallel_loop3A_228] {strides = array<i32>} : memref<4x4096xf32, #tpu.memory_space<vmem>>, vector<16xf32>,
        %parallel_loop3A_230 = arith.constant true
        %parallel_loop3A_231 = vector.broadcast %parallel_loop3A_230 : i1 to vector<16xi1>
        %parallel_loop3A_232 = tpu.scan <sum>, %parallel_loop3A_229 masked %parallel_loop3A_231 : vector<16xf32>, vector<16xi1> -> vector<16xf32>
        %parallel_loop3A_233 = vector.shape_cast %broadcast_in_dim3A_3 : vector<16x1xi32> to vector<16xi32>
        %parallel_loop3A_234 = tpu.dynamic_gather %parallel_loop3A_232[%parallel_loop3A_233] in [0] : vector<16xf32>, vector<16xi32> -> vector<16xf32>
        %parallel_loop3A_235 = arith.addf %parallel_loop3A_203, %parallel_loop3A_234 : vector<16xf32>
        %parallel_loop3A_236 = arith.subf %parallel_loop3A_235, %parallel_loop3A_232 : vector<16xf32>
        %parallel_loop3A_237 = arith.addf %parallel_loop3A_236, %parallel_loop3A_229 : vector<16xf32>
        %parallel_loop3A_238 = arith.constant 1 : i32
        %parallel_loop3A_239 = arith.index_cast %parallel_loop3A_238 : i32 to index
        %parallel_loop3A_240 = arith.index_cast %parallel_loop3A_209 : i32 to index
        %parallel_loop3A_241 = tpu.vector_load %arg7[%parallel_loop3A_239, %parallel_loop3A_240] {strides = array<i32>} : memref<4x4096xf32, #tpu.memory_space<vmem>>, vector<16xf32>,
        tpu.vector_store %arg7[%parallel_loop3A_239, %parallel_loop3A_240], %parallel_loop3A_237 {strides = array<i32>} : memref<4x4096xf32, #tpu.memory_space<vmem>>, vector<16xf32>,
        %parallel_loop3A_242 = arith.constant 2 : i32
        %parallel_loop3A_243 = arith.index_cast %parallel_loop3A_242 : i32 to index
        %parallel_loop3A_244 = arith.index_cast %parallel_loop3A_209 : i32 to index
        %parallel_loop3A_245 = tpu.vector_load %arg7[%parallel_loop3A_243, %parallel_loop3A_244] {strides = array<i32>} : memref<4x4096xf32, #tpu.memory_space<vmem>>, vector<16xf32>,
        %parallel_loop3A_246 = arith.constant true
        %parallel_loop3A_247 = vector.broadcast %parallel_loop3A_246 : i1 to vector<16xi1>
        %parallel_loop3A_248 = tpu.scan <sum>, %parallel_loop3A_245 masked %parallel_loop3A_247 : vector<16xf32>, vector<16xi1> -> vector<16xf32>
        %parallel_loop3A_249 = vector.shape_cast %broadcast_in_dim3A_3 : vector<16x1xi32> to vector<16xi32>
        %parallel_loop3A_250 = tpu.dynamic_gather %parallel_loop3A_248[%parallel_loop3A_249] in [0] : vector<16xf32>, vector<16xi32> -> vector<16xf32>
        %parallel_loop3A_251 = arith.addf %parallel_loop3A_204, %parallel_loop3A_250 : vector<16xf32>
        %parallel_loop3A_252 = arith.subf %parallel_loop3A_251, %parallel_loop3A_248 : vector<16xf32>
        %parallel_loop3A_253 = arith.addf %parallel_loop3A_252, %parallel_loop3A_245 : vector<16xf32>
        %parallel_loop3A_254 = arith.constant 2 : i32
        %parallel_loop3A_255 = arith.index_cast %parallel_loop3A_254 : i32 to index
        %parallel_loop3A_256 = arith.index_cast %parallel_loop3A_209 : i32 to index
        %parallel_loop3A_257 = tpu.vector_load %arg7[%parallel_loop3A_255, %parallel_loop3A_256] {strides = array<i32>} : memref<4x4096xf32, #tpu.memory_space<vmem>>, vector<16xf32>,
        tpu.vector_store %arg7[%parallel_loop3A_255, %parallel_loop3A_256], %parallel_loop3A_253 {strides = array<i32>} : memref<4x4096xf32, #tpu.memory_space<vmem>>, vector<16xf32>,
        %parallel_loop3A_258 = arith.constant 3 : i32
        %parallel_loop3A_259 = arith.index_cast %parallel_loop3A_258 : i32 to index
        %parallel_loop3A_260 = arith.index_cast %parallel_loop3A_209 : i32 to index
        %parallel_loop3A_261 = tpu.vector_load %arg7[%parallel_loop3A_259, %parallel_loop3A_260] {strides = array<i32>} : memref<4x4096xf32, #tpu.memory_space<vmem>>, vector<16xf32>,
        %parallel_loop3A_262 = arith.constant true
        %parallel_loop3A_263 = vector.broadcast %parallel_loop3A_262 : i1 to vector<16xi1>
        %parallel_loop3A_264 = tpu.scan <sum>, %parallel_loop3A_261 masked %parallel_loop3A_263 : vector<16xf32>, vector<16xi1> -> vector<16xf32>
        %parallel_loop3A_265 = vector.shape_cast %broadcast_in_dim3A_3 : vector<16x1xi32> to vector<16xi32>
        %parallel_loop3A_266 = tpu.dynamic_gather %parallel_loop3A_264[%parallel_loop3A_265] in [0] : vector<16xf32>, vector<16xi32> -> vector<16xf32>
        %parallel_loop3A_267 = arith.addf %parallel_loop3A_205, %parallel_loop3A_266 : vector<16xf32>
        %parallel_loop3A_268 = arith.subf %parallel_loop3A_267, %parallel_loop3A_264 : vector<16xf32>
        %parallel_loop3A_269 = arith.addf %parallel_loop3A_268, %parallel_loop3A_261 : vector<16xf32>
        %parallel_loop3A_270 = arith.constant 3 : i32
        %parallel_loop3A_271 = arith.index_cast %parallel_loop3A_270 : i32 to index
        %parallel_loop3A_272 = arith.index_cast %parallel_loop3A_209 : i32 to index
        %parallel_loop3A_273 = tpu.vector_load %arg7[%parallel_loop3A_271, %parallel_loop3A_272] {strides = array<i32>} : memref<4x4096xf32, #tpu.memory_space<vmem>>, vector<16xf32>,
        tpu.vector_store %arg7[%parallel_loop3A_271, %parallel_loop3A_272], %parallel_loop3A_269 {strides = array<i32>} : memref<4x4096xf32, #tpu.memory_space<vmem>>, vector<16xf32>,
        scf.yield %parallel_loop3A_219, %parallel_loop3A_235, %parallel_loop3A_251, %parallel_loop3A_267 : vector<16xf32>, vector<16xf32>, vector<16xf32>, vector<16xf32>
      } {sc.loop_unroll_factor = 16 : i64, sc.parallel_access}
      %mul3A_193 = arith.constant 4 : i32
      %mul3A_194 = arith.muli %add3A_163, %mul3A_193 : i32
      %add3A_195 = arith.addi %mul3A_2, %mul3A_194 : i32
      %dma_start3A_196 = arith.constant 0 : i32
      %dma_start3A_197 = tpu.memref_slice %arg3[%add3A_195, %dma_start3A_196] : memref<16384x4096xf32, #tpu.memory_space<hbm>> -> memref<4x4096xf32, #tpu.memory_space<hbm>>
      %dma_start3A_198 = arith.constant 0 : i32
      %dma_start3A_199 = tpu.memref_slice %arg3[%add3A_195, %dma_start3A_198] : memref<16384x4096xf32, #tpu.memory_space<hbm>> -> memref<4x4096xf32, #tpu.memory_space<hbm>>
      tpu.enqueue_dma source(%arg7 : memref<4x4096xf32, #tpu.memory_space<vmem>>) target(%dma_start3A_199 : memref<4x4096xf32, #tpu.memory_space<hbm>>) target_semaphore(%arg15 : memref<!tpu.dma_semaphore, #tpu.memory_space<semaphore_mem>>)
      %scan3A_200 = arith.constant 0 : i32
      scf.yield %scan3A_200 : i32
    }
    %scan3A_20 = arith.constant 32 : i32
    %dma_wait3A = arith.constant 0 : i32
    %dma_wait3A_21 = arith.constant 0 : i32
    %dma_wait3A_22 = tpu.memref_slice %arg3[%dma_wait3A, %dma_wait3A_21] : memref<16384x4096xf32, #tpu.memory_space<hbm>> -> memref<4x4096xf32, #tpu.memory_space<hbm>>
    %dma_wait3A_23 = arith.constant 0 : i32
    %dma_wait3A_24 = arith.constant 0 : i32
    %dma_wait3A_25 = tpu.memref_slice %arg3[%dma_wait3A_23, %dma_wait3A_24] : memref<16384x4096xf32, #tpu.memory_space<hbm>> -> memref<4x4096xf32, #tpu.memory_space<hbm>>
    tpu.wait_dma2 semaphore(%arg12 : memref<!tpu.dma_semaphore, #tpu.memory_space<semaphore_mem>>) src(%arg4 : memref<4x4096xf32, #tpu.memory_space<vmem>>) dst(%dma_wait3A_25 : memref<4x4096xf32, #tpu.memory_space<hbm>>)
    %dma_wait3A_26 = arith.constant 0 : i32
    %dma_wait3A_27 = arith.constant 0 : i32
    %dma_wait3A_28 = tpu.memref_slice %arg3[%dma_wait3A_26, %dma_wait3A_27] : memref<16384x4096xf32, #tpu.memory_space<hbm>> -> memref<4x4096xf32, #tpu.memory_space<hbm>>
    %dma_wait3A_29 = arith.constant 0 : i32
    %dma_wait3A_30 = arith.constant 0 : i32
    %dma_wait3A_31 = tpu.memref_slice %arg3[%dma_wait3A_29, %dma_wait3A_30] : memref<16384x4096xf32, #tpu.memory_space<hbm>> -> memref<4x4096xf32, #tpu.memory_space<hbm>>
    tpu.wait_dma2 semaphore(%arg13 : memref<!tpu.dma_semaphore, #tpu.memory_space<semaphore_mem>>) src(%arg5 : memref<4x4096xf32, #tpu.memory_space<vmem>>) dst(%dma_wait3A_31 : memref<4x4096xf32, #tpu.memory_space<hbm>>)
    %dma_wait3A_32 = arith.constant 0 : i32
    %dma_wait3A_33 = arith.constant 0 : i32
    %dma_wait3A_34 = tpu.memref_slice %arg3[%dma_wait3A_32, %dma_wait3A_33] : memref<16384x4096xf32, #tpu.memory_space<hbm>> -> memref<4x4096xf32, #tpu.memory_space<hbm>>
    %dma_wait3A_35 = arith.constant 0 : i32
    %dma_wait3A_36 = arith.constant 0 : i32
    %dma_wait3A_37 = tpu.memref_slice %arg3[%dma_wait3A_35, %dma_wait3A_36] : memref<16384x4096xf32, #tpu.memory_space<hbm>> -> memref<4x4096xf32, #tpu.memory_space<hbm>>
    tpu.wait_dma2 semaphore(%arg14 : memref<!tpu.dma_semaphore, #tpu.memory_space<semaphore_mem>>) src(%arg6 : memref<4x4096xf32, #tpu.memory_space<vmem>>) dst(%dma_wait3A_37 : memref<4x4096xf32, #tpu.memory_space<hbm>>)
    %dma_wait3A_38 = arith.constant 0 : i32
    %dma_wait3A_39 = arith.constant 0 : i32
    %dma_wait3A_40 = tpu.memref_slice %arg3[%dma_wait3A_38, %dma_wait3A_39] : memref<16384x4096xf32, #tpu.memory_space<hbm>> -> memref<4x4096xf32, #tpu.memory_space<hbm>>
    %dma_wait3A_41 = arith.constant 0 : i32
    %dma_wait3A_42 = arith.constant 0 : i32
    %dma_wait3A_43 = tpu.memref_slice %arg3[%dma_wait3A_41, %dma_wait3A_42] : memref<16384x4096xf32, #tpu.memory_space<hbm>> -> memref<4x4096xf32, #tpu.memory_space<hbm>>
    tpu.wait_dma2 semaphore(%arg15 : memref<!tpu.dma_semaphore, #tpu.memory_space<semaphore_mem>>) src(%arg7 : memref<4x4096xf32, #tpu.memory_space<vmem>>) dst(%dma_wait3A_43 : memref<4x4096xf32, #tpu.memory_space<hbm>>)
    return
  }
}

</mosaic_0001>

<sc_bundles>
// kernel: kernel.3.cloned.1.call-start
scs
__scs_entry_jumppad:
0x0: {  	(pc) =	sbr.rel $0x88, $3  }
0x1: {  	(tag) =	ssettag $0x0;
	lr =	simm.s32 $0x1  }
0x2: {  	[smem:$0x3FA0] =	sst lr;
	_ =	strace $0xD0000000  }
0x3: {  	_ = 	snop  }
0x4: {  	_ = 	snop  }
0x5: {  	_ = 	snop  }
0x6: {  	_ = 	snop  }
0x7: {  	_ = 	snop  }
__scs_overlays_trampoline_lowered:
0x8: {  	[smem:$0x3FAF] =	sst s0  }
0x9: {  	[smem:$0x3FB0] =	sst s1  }
0xa: {  	[smem:$0x3FB1] =	sst s2  }
0xb: {  	[smem:$0x3FB2] =	sst s3  }
0xc: {  	[smem:$0x3FB3] =	sst s4  }
0xd: {  	[smem:$0x3FB4] =	sst s5  }
0xe: {  	[smem:$0x3FB5] =	sst s6  }
0xf: {  	[smem:$0x3FB6] =	sst s7  }
0x10: {  	[smem:$0x3FB7] =	sst s8  }
0x11: {  	[smem:$0x3FB8] =	sst s9;
	s0 =	simm.s32 @!p0 $0x0  }
0x12: {  	s1 =	sld [smem:$0x3F9E];
	s0 =	simm.s32 @p0 $0x1  }
0x13: {  	[smem:$0x3FB9] =	sst s0;
	s0 =	simm.s32 @!p1 $0x0  }
0x14: {  	s2 =	sld [smem:$0x3F9D];
	s0 =	simm.s32 @p1 $0x1  }
0x15: {  	[smem:$0x3FBA] =	sst s0;
	s0 =	simm.s32 @!p2 $0x0  }
0x16: {  	s3 =	sld [smem:$0x3FDB];
	s0 =	simm.s32 @p2 $0x1  }
0x17: {  	s4 =	simm.s32 $0x1BF5;
	[smem:$0x3FBC] =	sst s0  }
0x18: {  	s0 =	sld [smem:$0x3F9F];
	_ =	swait.ge [sflag:s4], $0x0  }
0x19: {  	s7 =	sld [smem:$0x3FA0]  }
0x1a: {  	s8 =	sadd.s32 $0xFFFFE003, lr  }
0x1b: {  	s9 =	sadd.s32 $0xFFFFFEF7, lr;
	s5 =	simm.s32 $0xFFFFFFFF;
	p2 =	slt.u32 s8, $0xFFFFF086  }
0x1c: {  	p1 =	slt.u32 s9, $0xF7A;
	s5 =	simm.s32 @!p2 $0x0  }
0x1d: {  	s5 =	simm.s32 @p1 $0x1;
	p0 =	seq.s32 s7, s2  }
0x1e: {  	s7 =	smul.u32 @!p0 $0xF7A, s2;
	p2 =	seq.s32 @!p0 s5, $0x0  }
0x1f: {  	s9 =	smul.u32 $0xF7A, s1;
	s8 =	simm.s32 @!p0 $0x1BF5;
	p2 =	por !p2, p0  }
0x20: {  	[sflag:s8] =	ssyncset.s32 @!p0 $0xFFFFF086;
	s6 =	sadd.s32 @!p0 s3, s7;
	s7 =	simm.s32 @!p0 $0x108  }
0x21: {  	s3 =	sadd.s32 s3, s9;
	s6 =	sadd.s32 @!p0 $0x88, s6;
	s7 =	simm.s32 @p2 $0x1082  }
0x22: {  	[simem:s7], [sflag:s8] =	dma.local @!p0 [hbm:s6], $0xF7A  }
0x23: {  	s9 =	sor.u32 $0xD0000000, s2;
	s6 =	simm.s32 $0x108;
	_ =	swait.ge @!p0 [sflag:s8], $0x0  }
0x24: {  	s3 =	sadd.s32 $0x88, s3;
	s6 =	simm.s32 @!p1 $0x1082;
	[sflag:s4] =	ssyncset.s32 $0xFFFFF086  }
0x25: {  	[simem:s6], [sflag:s4] =	dma.local [hbm:s3], $0xF7A  }
0x26: {  	[smem:$0x3FA0] =	sst s1;
	(tag) =	ssettag s2;
	_ =	strace s9  }
0x27: {  	s1 =	sld [smem:$0x3FB0]  }
0x28: {  	s2 =	sld [smem:$0x3FB1]  }
0x29: {  	s4 =	sld [smem:$0x3FB3]  }
0x2a: {  	p0 =	seq.s32 s5, $0x0;
	s5 =	sld [smem:$0x3FB4]  }
0x2b: {  	s6 =	sld [smem:$0x3FB5]  }
0x2c: {  	s7 =	sld [smem:$0x3FB6]  }
0x2d: {  	s3 =	simm.s32 $0x108;
	s8 =	sld [smem:$0x3FB7]  }
0x2e: {  	s3 =	simm.s32 @!p0 $0x1082;
	s9 =	sld [smem:$0x3FB8]  }
0x2f: {  	lr =	sadd.s32 s0, s3;
	s0 =	sld [smem:$0x3FAF]  }
0x30: {  	s3 =	sld [smem:$0x3FB2]  }
0x31: {  	[smem:$0x3FBB] =	sst s10  }
0x32: {  	s10 =	sld [smem:$0x3FB9];
	_ =	sdelay $0x3  }
0x33: {  	p0 =	seq.s32 s10, $0x1;
	s10 =	sld [smem:$0x3FBB];
	_ =	sdelay $0x3  }
0x34: {  	[smem:$0x3FBB] =	sst s10  }
0x35: {  	s10 =	sld [smem:$0x3FBA];
	_ =	sdelay $0x3  }
0x36: {  	p1 =	seq.s32 s10, $0x1;
	s10 =	sld [smem:$0x3FBB];
	_ =	sdelay $0x3  }
0x37: {  	[smem:$0x3FBB] =	sst s10  }
0x38: {  	s10 =	sld [smem:$0x3FBC]  }
0x39: {  	_ = 	snop;
	(pc) =	sbr.ind lr, $3  }
0x3a: {  	_ = 	snop  }
0x3b: {  	_ = 	snop  }
0x3c: {  	p2 =	seq.s32 s10, $0x1;
	s10 =	sld [smem:$0x3FBB]  }
0x3d: {  	_ =	shalt  }
0x3e: {  	_ =	shalt  }
0x3f: {  	_ =	shalt  }
0x40: {  	_ =	shalt  }
0x41: {  	_ =	shalt  }
0x42: {  	_ =	shalt  }
0x43: {  	_ =	shalt  }
0x44: {  	_ =	shalt  }
0x45: {  	_ =	shalt  }
0x46: {  	_ =	shalt  }
0x47: {  	_ =	shalt  }
0x48: {  	_ =	shalt  }
0x49: {  	_ =	shalt  }
0x4a: {  	_ =	shalt  }
0x4b: {  	_ =	shalt  }
0x4c: {  	_ =	shalt  }
0x4d: {  	_ =	shalt  }
0x4e: {  	_ =	shalt  }
0x4f: {  	_ =	shalt  }
0x50: {  	_ =	shalt  }
0x51: {  	_ =	shalt  }
0x52: {  	_ =	shalt  }
0x53: {  	_ =	shalt  }
0x54: {  	_ =	shalt  }
0x55: {  	_ =	shalt  }
0x56: {  	_ =	shalt  }
0x57: {  	_ =	shalt  }
0x58: {  	_ =	shalt  }
0x59: {  	_ =	shalt  }
0x5a: {  	_ =	shalt  }
0x5b: {  	_ =	shalt  }
0x5c: {  	_ =	shalt  }
0x5d: {  	_ =	shalt  }
0x5e: {  	_ =	shalt  }
0x5f: {  	_ =	shalt  }
0x60: {  	_ =	shalt  }
0x61: {  	_ =	shalt  }
0x62: {  	_ =	shalt  }
0x63: {  	_ =	shalt  }
0x64: {  	_ =	shalt  }
0x65: {  	_ =	shalt  }
0x66: {  	_ =	shalt  }
0x67: {  	_ =	shalt  }
0x68: {  	_ =	shalt  }
0x69: {  	_ =	shalt  }
0x6a: {  	_ =	shalt  }
0x6b: {  	_ =	shalt  }
0x6c: {  	_ =	shalt  }
0x6d: {  	_ =	shalt  }
0x6e: {  	_ =	shalt  }
0x6f: {  	_ =	shalt  }
0x70: {  	_ =	shalt  }
0x71: {  	_ =	shalt  }
0x72: {  	_ =	shalt  }
0x73: {  	_ =	shalt  }
0x74: {  	_ =	shalt  }
0x75: {  	_ =	shalt  }
0x76: {  	_ =	shalt  }
0x77: {  	_ =	shalt  }
0x78: {  	_ =	shalt  }
0x79: {  	_ =	shalt  }
0x7a: {  	_ =	shalt  }
0x7b: {  	_ =	shalt  }
0x7c: {  	_ =	shalt  }
0x7d: {  	_ =	shalt  }
0x7e: {  	_ =	shalt  }
0x7f: {  	_ =	shalt  }
0x80: {  	_ =	shalt  }
0x81: {  	_ =	shalt  }
0x82: {  	_ =	shalt  }
0x83: {  	_ =	shalt  }
0x84: {  	_ =	shalt  }
0x85: {  	_ =	shalt  }
0x86: {  	_ =	shalt  }
0x87: {  	_ =	shalt  }
.Lfunc_end0:
.L_simem_size_0:
called_computation_lowered:
.L_overlay_start_0:
0x88: {  	s2 =	sld [smem:$0x3FD9]  }
0x89: {  	s3 =	sld [smem:$0x3FFE];
	_ =	sdelay $0x1  }
0x8a: {  	s1 =	srdreg.scid  }
0x8b: {  	s0 =	sand.u32 $0x1, s1  }
0x8c: {  	s18 =	sshll.u32 s0, $0xA;
	s2 =	sadd.s32 s3, s2  }
0x8d: {  	s2 =	sadd.s32 s2, s18  }
0x8e: {  	[smem:$0x3FC7] =	sst s2  }
0x8f: {  	_ = 	snop  }
0x90: {  	s2 =	sld [smem:$0x3FC9]  }
0x91: {  	s19 =	sld [smem:$0x3FD0];
	(tm) =	ssettm $0x1  }
0x92: {  	s4 =	sld [smem:$0x3FFB];
	_ =	sdelay $0x3  }
0x93: {  	_ =	strace s4  }
0x94: {  	s4 =	sld [smem:$0x3FFC];
	_ =	sdelay $0x3  }
0x95: {  	_ =	strace s4  }
0x96: {  	s4 =	sld [smem:$0x3FFD];
	_ =	sdelay $0x3  }
0x97: {  	_ =	strace s4  }
0x98: {  	_ =	strace $0x8FFFFFFF  }
0x99: {  	s20 =	sld [smem:$0x3FDB];
	_ =	sdelay $0x1  }
0x9a: {  	s5 =	simm.s32 $_scs_section_size  }
0x9b: {  	s6 =	simm.s32 $_size__tile_overlayer_lowered;
	s7 =	simm.s32 $_tile_overlayer_lowered  }
0x9c: {  	s23 =	simm.s32 $0x1BFF;
	s22 =	sshll.u32 s7, $0x1;
	s4 =	sadd.s32 s5, s20  }
0x9d: {  	s8 =	simm.s32 $0x0;
	s21 =	sshll.u32 s6, $0x1;
	s6 =	sadd.s32 s22, s4  }
0x9e: {  	[timem:s8], [sflag:s23] =	dma.local [hbm:s6], s21  }
0x9f: {  	_ =	swait.ge [sflag:s23], s21  }
0xa0: {  	s5 =	ssub.s32 $0x0, s21;
	[sflag:s23] =	ssyncset.done $0x0  }
0xa1: {  	[sflag:s23] =	ssyncadd.s32 s5;
	_ =	sdelay $0x1  }
0xa2: {  	s24 =	simm.s32 $0x1B8B  }
0xa3: {  	_ =	swait.ge [sflag:s24], $0x1  }
0xa4: {  	[sflag:s24] =	ssyncset.done $0x0  }
0xa5: {  	s25 =	simm.s32 $0x1B8E;
	[sflag:s24] =	ssyncadd.s32 $0xFFFFFFFF  }
0xa6: {  	s26 =	simm.s32 $execute0_lowered;
	[smem:$0x3FD2] =	sst s25  }
0xa7: {  	s5 =	sshll.u32 s26, $0x1;
	_ =	strace $0x80000046;
	[dreg:$0x1] =	wrdreg $0xFFFFFFFF  }
0xa8: {  	s28 =	simm.s32 $_size_execute0_lowered;
	s4 =	sadd.s32 s4, s5;
	[dreg:$0x0] =	wrdreg $0x0  }
0xa9: {  	s5 =	sshll.u32 s28, $0x1;
	[dreg:$0x2] =	wrdreg s4  }
0xaa: {  	[dreg:$0x3] =	wrdreg s5  }
0xab: {  	[dreg:$0x4] =	wrdreg $0xC0  }
0xac: {  	_ =	task [dreg:s8], $0x5FFFF  }
0xad: {  	[dreg:$0x1] =	wrdreg $0xFFFFFFFF  }
0xae: {  	[dreg:$0x0] =	wrdreg $0x60  }
0xaf: {  	[dreg:$0x2] =	wrdreg s2  }
0xb0: {  	[dreg:$0x3] =	wrdreg s19  }
0xb1: {  	[dreg:$0x4] =	wrdreg $0x9  }
0xb2: {  	_ =	task.clear_ibuf [dreg:s8], $0x5FFFF;
	_ =	strace $0x90000046  }
0xb3: {  	s29 =	simm.s32 $0x9;
	_ =	strace $0x80000048  }
0xb4: {  	_ =	swait.ge [sflag:s29], $0x1  }
0xb5: {  	[sflag:s29] =	ssyncadd.s32 $0xFFFFFFFF  }
0xb6: {  	_ =	strace $0x90000048  }
0xb7: {  	_ =	sfence  }
0xb8: {  	s30 =	sld [smem:$0x0];
	_ =	sdelay $0x2  }
0xb9: {  	s31 =	sshll.u32 s1, $0xD;
	s1 =	sshrl.u32 s1, $0x2  }
0xba: {  	s3 =	sand.u32 $0x4000, s31;
	s1 =	sadd.s32 s1, s30  }
0xbb: {  	s0 =	sor.u32 s3, s0;
	s1 =	sshll.u32 s1, $0x11  }
0xbc: {  	s0 =	sor.u32 s1, s0  }
0xbd: {  	s0 =	sadd.s32 $0x8F2B, s0  }
0xbe: {  	[sflag:s0] =	ssyncadd.remote.s32 $0x1  }
0xbf: {  	_ =	sfence.sel $0xFFFF  }
0xc0: {  	[dreg:$0x0] =	wrdreg $0xFFFFFFFF;
	(pc) =	sbr.abs _section_cstart, $3  }
0xc1: {  	[dreg:$0x1] =	wrdreg $0xFFFFFFFF  }
0xc2: {  	_ =	task.clear_ibuf [dreg:s8], $0x2FFFF;
	_ =	strace $0x9FFFFFFF  }
0xc3: {  	(tm) =	ssettm $0x7FFFFFFF  }
tec
execute0_lowered:
.L_overlay_start_1:
0x0: {  	(tag) =	ssettag $0x1  }
0x1: {  	s1 =	rddreg [dreg:$0x0]  }
0x2: {  	s3 =	rddreg [dreg:$0x1];
	s0 =	srdreg.scid  }
0x3: {  	s4 =	simm.s32 $0x0;
	s5 =	stileid.u32;
	s14 =	simm.s32 $0x200  }
0x4: {  	s15 =	simm.s32 $0x400;
	s16 =	simm.s32 $0x4000;
	s17 =	simm.s32 $0x8000  }
0x5: {  	s18 =	simm.s32 $0x1;
	s19 =	simm.s32 $0xC000;
	s20 =	simm.s32 $0x2  }
0x6: {  	s21 =	simm.s32 $0x3;
	s22 =	simm.s32 $0x4;
	s23 =	simm.s32 $0x5  }
0x7: {  	s24 =	simm.s32 $0x6;
	s25 =	simm.s32 $0x7;
	s26 =	simm.s32 $0x8  }
0x8: {  	s28 =	simm.s32 $0x0;
	s0 =	sand.u32 $0x1, s0;
	s5 =	sshll.u32 s5, $0x13  }
0x9: {  	[smem:$0x7FF] =	sst s4;
	s2 =	ssub.s32 $0x2, s0;
	s0 =	sshll.u32 s0, $0x12  }
0xa: {  	s10 =	sadd.s32 $0x40, s3;
	s6 =	sshrl.u32 s2, $0x1;
	s5 =	sor.u32 s0, s5  }
0xb: {  	_ =	strace $0x80000047;
	s29 =	ssub.s32 s2, s6;
	s30 =	sadd.s32 s1, s5  }
0xc: {  	s8 =	sor.u32 $0x1000, s5;
	s31 =	sadd.s32 $0x40, s30;
	[dreg:$0x3] =	wrdreg s30  }
0xd: {  	s9 =	sor.u32 $0x1040, s5;
	s0 =	smax.u32 s29, $0x1;
	[dreg:$0x4] =	wrdreg s31  }
0xe: {  	v0 =	vimm.s32 $0xF;
	s11 =	sadd.s32 $0x2000, s30;
	s12 =	sadd.s32 $0x2040, s30;
	[dreg:$0x5] =	wrdreg s0  }
.LBB2_1:
0xf: {  	s0 =	rddreg [dreg:$0x3]  }
0x10: {  	[tilespmem:s4], [sflag:$0x1] =	stream.strided.gather [hbm4b:s0+s14], $0x4000, s15, s14, $0x38;
	[tilespmem:$0x10000] =	vst v63  }
0x11: {  	s31 =	rddreg [dreg:$0x4];
	s29 =	simm.s32 $0x0  }
0x12: {  	[tilespmem:s16], [sflag:$0x2] =	stream.strided.gather [hbm4b:s31+s14], $0x4000, s15, s14, $0x38;
	[tilespmem:$0x10000] =	vst v63  }
.LBB2_2:
0x13: {  	p0 =	seq.s32 s29, $0x0  }
0x14: {  	s2 =	simm.s32 @!p0 $0x7  }
0x15: {  	s30 =	sshll.u32 s29, $0xD;
	_ =	swait.ge @!p0 [sflag:s2], $0x4000  }
0x16: {  	s0 =	sadd.s32 s8, s30;
	[sflag:s2] =	ssyncset.done @!p0 $0x0  }
0x17: {  	s31 =	sadd.s32 s1, s0;
	[sflag:s2] =	ssyncadd.s32 @!p0 $0xFFFFC000  }
0x18: {  	[tilespmem:s17], [sflag:$0x3] =	stream.strided.gather [hbm4b:s31+s14], $0x4000, s15, s14, $0x38;
	[tilespmem:$0x10000] =	vst v63  }
0x19: {  	_ =	swait.ge [sflag:s18], $0x4000  }
0x1a: {  	v1 =	vimm.f32 $0.0e+00;
	[sflag:s18] =	ssyncset.done $0x0  }
0x1b: {  	s7 =	simm.s32 $0x3FF0;
	v2 =	vimm.f32 $0.0e+00;
	v3 =	vimm.f32 $0.0e+00;
	v4 =	vimm.f32 $0.0e+00;
	s2 =	simm.s32 $0xFFFFFFF0;
	[sflag:s18] =	ssyncadd.s32 $0xFFFFC000  }
.LBB2_3:
0x1c: {  	v5 =	vld [tilespmem:s7+$0xFFFFFE80]  }
0x1d: {  	v6 =	vld [tilespmem:s7+$0xFFFFFF00]  }
0x1e: {  	v7 =	vld [tilespmem:s7+$0xFFFFFF80];
	_ =	sdelay $0x2  }
0x1f: {  	v8 =	vld [tilespmem:s7+$0x0];
	(xrf2) =	vadd.scan.msk.f32 $0xffff, v5  }
0x20: {  	v9 =	vld [tilespmem:s7+$0xFFFFFE70];
	(xrf2) =	vadd.scan.msk.f32 $0xffff, v6  }
0x21: {  	v10 =	vld [tilespmem:s7+$0xFFFFFEF0];
	(xrf2) =	vadd.scan.msk.f32 $0xffff, v7;
	_ =	sdelay $0x2  }
0x22: {  	v11 =	vld [tilespmem:s7+$0xFFFFFF70];
	(xrf2) =	vadd.scan.msk.f32 $0xffff, v8  }
0x23: {  	v12 =	vld [tilespmem:s7+$0xFFFFFFF0];
	(xrf2) =	vadd.scan.msk.f32 $0xffff, v9  }
0x24: {  	v13 =	vld [tilespmem:s7+$0xFFFFFE60];
	(xrf2) =	vadd.scan.msk.f32 $0xffff, v10  }
0x25: {  	v14 =	vld [tilespmem:s7+$0xFFFFFEE0];
	_ =	sdelay $0x1  }
0x26: {  	v15, _, _ =	vpop (xrf2);
	(xrf2) =	vadd.scan.msk.f32 $0xffff, v11  }
0x27: {  	v18 =	vld [tilespmem:s7+$0xFFFFFF60];
	v16 =	vperm.xlane v15, v0;
	v17, _, _ =	vpop (xrf2);
	(xrf2) =	vadd.scan.msk.f32 $0xffff, v12  }
0x28: {  	v21 =	vld [tilespmem:s7+$0xFFFFFFE0];
	v19 =	vperm.xlane v17, v0;
	v20, _, _ =	vpop (xrf2);
	(xrf2) =	vadd.scan.msk.f32 $0xffff, v13  }
0x29: {  	v22 =	vld [tilespmem:s7+$0xFFFFFE50];
	v4 =	vadd.f32 v16, v4;
	v39 =	vperm.xlane v20, v0;
	(xrf2) =	vadd.scan.msk.f32 $0xffff, v14  }
0x2a: {  	v3 =	vadd.f32 v19, v3  }
0x2b: {  	v40, _, _ =	vpop (xrf2);
	v15 =	vsub.f32 v4, v15;
	v2 =	vadd.f32 v39, v2  }
0x2c: {  	v24 =	vld [tilespmem:s7+$0xFFFFFED0];
	v41 =	vperm.xlane v40, v0;
	v23, _, _ =	vpop (xrf2);
	(xrf2) =	vadd.scan.msk.f32 $0xffff, v18;
	v17 =	vsub.f32 v3, v17  }
0x2d: {  	v26 =	vld [tilespmem:s7+$0xFFFFFF50];
	v43 =	vperm.xlane v23, v0;
	v25, _, _ =	vpop (xrf2);
	(xrf2) =	vadd.scan.msk.f32 $0xffff, v21;
	v5 =	vadd.f32 v15, v5;
	v42 =	vsub.f32 v2, v20  }
0x2e: {  	v45 =	vld [tilespmem:s7+$0xFFFFFFD0];
	v1 =	vadd.f32 v41, v1;
	v44 =	vperm.xlane v25, v0;
	(xrf2) =	vadd.scan.msk.f32 $0xffff, v22;
	v6 =	vadd.f32 v17, v6  }
0x2f: {  	v4 =	vadd.f32 v43, v4;
	[tilespmem:s7+$0xFFFFFE80] =	vst v5;
	v5 =	vadd.f32 v42, v7  }
0x30: {  	v3 =	vadd.f32 v44, v3;
	[tilespmem:s7+$0xFFFFFF00] =	vst v6;
	v6 =	vsub.f32 v1, v40;
	v7, _, _ =	vpop (xrf2)  }
0x31: {  	v48 =	vld [tilespmem:s7+$0xFFFFFE40];
	[tilespmem:s7+$0xFFFFFF80] =	vst v5;
	v5 =	vsub.f32 v4, v23;
	v46 =	vperm.xlane v7, v0;
	v47, _, _ =	vpop (xrf2);
	(xrf2) =	vadd.scan.msk.f32 $0xffff, v24  }
0x32: {  	v52 =	vld [tilespmem:s7+$0xFFFFFEC0];
	v49 =	vsub.f32 v3, v25;
	v6 =	vadd.f32 v6, v8;
	v50 =	vperm.xlane v47, v0;
	v51, _, _ =	vpop (xrf2);
	(xrf2) =	vadd.scan.msk.f32 $0xffff, v26  }
0x33: {  	v27 =	vld [tilespmem:s7+$0xFFFFFF40];
	v5 =	vadd.f32 v5, v9;
	v2 =	vadd.f32 v46, v2;
	v53 =	vperm.xlane v51, v0;
	v54, _, _ =	vpop (xrf2);
	(xrf2) =	vadd.scan.msk.f32 $0xffff, v45  }
0x34: {  	[tilespmem:s7+$0x0] =	vst v6;
	v6 =	vadd.f32 v49, v10;
	v1 =	vadd.f32 v50, v1;
	v55 =	vperm.xlane v54, v0  }
0x35: {  	[tilespmem:s7+$0xFFFFFE70] =	vst v5;
	v5 =	vsub.f32 v2, v7;
	v4 =	vadd.f32 v53, v4  }
0x36: {  	v56 =	vld [tilespmem:s7+$0xFFFFFFC0];
	(xrf2) =	vadd.scan.msk.f32 $0xffff, v48;
	v7, _, _ =	vpop (xrf2);
	[tilespmem:s7+$0xFFFFFEF0] =	vst v6;
	v6 =	vsub.f32 v1, v47;
	v3 =	vadd.f32 v55, v3  }
0x37: {  	v59 =	vld [tilespmem:s7+$0xFFFFFE30];
	(xrf2) =	vadd.scan.msk.f32 $0xffff, v52;
	v57 =	vperm.xlane v7, v0;
	v58, _, _ =	vpop (xrf2);
	v5 =	vadd.f32 v5, v11;
	v9 =	vsub.f32 v4, v51  }
0x38: {  	v63 =	vld [tilespmem:s7+$0xFFFFFEB0];
	v61 =	vperm.xlane v58, v0;
	v62, _, _ =	vpop (xrf2);
	(xrf2) =	vadd.scan.msk.f32 $0xffff, v27;
	v6 =	vadd.f32 v6, v12;
	v60 =	vsub.f32 v3, v54  }
0x39: {  	v30 =	vld [tilespmem:s7+$0xFFFFFF30];
	v2 =	vadd.f32 v57, v2;
	v29 =	vperm.xlane v62, v0;
	[tilespmem:s7+$0xFFFFFF70] =	vst v5;
	v5 =	vadd.f32 v9, v13  }
0x3a: {  	v1 =	vadd.f32 v61, v1;
	[tilespmem:s7+$0xFFFFFFF0] =	vst v6;
	v6 =	vadd.f32 v60, v14  }
0x3b: {  	(xrf2) =	vadd.scan.msk.f32 $0xffff, v56;
	v4 =	vadd.f32 v29, v4;
	[tilespmem:s7+$0xFFFFFE60] =	vst v5;
	v5 =	vsub.f32 v2, v7;
	v7, _, _ =	vpop (xrf2)  }
0x3c: {  	v33 =	vld [tilespmem:s7+$0xFFFFFFB0];
	(xrf2) =	vadd.scan.msk.f32 $0xffff, v59;
	[tilespmem:s7+$0xFFFFFEE0] =	vst v6;
	v6 =	vsub.f32 v1, v58;
	v31 =	vperm.xlane v7, v0;
	v32, _, _ =	vpop (xrf2)  }
0x3d: {  	v34 =	vsub.f32 v4, v62;
	(xrf2) =	vadd.scan.msk.f32 $0xffff, v63;
	v5 =	vadd.f32 v5, v18;
	v35 =	vperm.xlane v32, v0;
	v36, _, _ =	vpop (xrf2);
	v18 =	vld [tilespmem:s7+$0xFFFFFE20]  }
0x3e: {  	v20 =	vld [tilespmem:s7+$0xFFFFFEA0];
	(xrf2) =	vadd.scan.msk.f32 $0xffff, v30;
	v6 =	vadd.f32 v6, v21;
	v3 =	vadd.f32 v31, v3;
	v37 =	vperm.xlane v36, v0  }
0x3f: {  	[tilespmem:s7+$0xFFFFFF60] =	vst v5;
	v5 =	vadd.f32 v34, v22;
	v2 =	vadd.f32 v35, v2  }
0x40: {  	[tilespmem:s7+$0xFFFFFFE0] =	vst v6;
	v6 =	vsub.f32 v3, v7;
	v1 =	vadd.f32 v37, v1;
	v7, _, _ =	vpop (xrf2)  }
0x41: {  	v40 =	vld [tilespmem:s7+$0xFFFFFF20];
	[tilespmem:s7+$0xFFFFFE50] =	vst v5;
	v5 =	vsub.f32 v2, v32;
	v38 =	vperm.xlane v7, v0;
	v39, _, _ =	vpop (xrf2);
	(xrf2) =	vadd.scan.msk.f32 $0xffff, v33  }
0x42: {  	v22 =	vld [tilespmem:s7+$0xFFFFFFA0];
	v6 =	vadd.f32 v6, v24;
	v41 =	vsub.f32 v1, v36;
	v42 =	vperm.xlane v39, v0;
	v43, _, _ =	vpop (xrf2);
	(xrf2) =	vadd.scan.msk.f32 $0xffff, v18  }
0x43: {  	v24 =	vld [tilespmem:s7+$0xFFFFFE10];
	v5 =	vadd.f32 v5, v26;
	v4 =	vadd.f32 v38, v4;
	v44 =	vperm.xlane v43, v0;
	(xrf2) =	vadd.scan.msk.f32 $0xffff, v20  }
0x44: {  	[tilespmem:s7+$0xFFFFFED0] =	vst v6;
	v6 =	vadd.f32 v41, v45;
	v3 =	vadd.f32 v42, v3  }
0x45: {  	[tilespmem:s7+$0xFFFFFF50] =	vst v5;
	v5 =	vsub.f32 v4, v7;
	v2 =	vadd.f32 v44, v2;
	v7, _, _ =	vpop (xrf2)  }
0x46: {  	v14 =	vld [tilespmem:s7+$0xFFFFFE90];
	[tilespmem:s7+$0xFFFFFFD0] =	vst v6;
	v6 =	vsub.f32 v3, v39;
	v45 =	vperm.xlane v7, v0;
	v46, _, _ =	vpop (xrf2);
	(xrf2) =	vadd.scan.msk.f32 $0xffff, v40  }
0x47: {  	v21 =	vld [tilespmem:s7+$0xFFFFFF10];
	v5 =	vadd.f32 v5, v48;
	v47 =	vsub.f32 v2, v43;
	v48 =	vperm.xlane v46, v0;
	v49, _, _ =	vpop (xrf2);
	(xrf2) =	vadd.scan.msk.f32 $0xffff, v22  }
0x48: {  	v6 =	vadd.f32 v6, v52;
	v1 =	vadd.f32 v45, v1;
	v50 =	vperm.xlane v49, v0;
	v51, _, _ =	vpop (xrf2);
	(xrf2) =	vadd.scan.msk.f32 $0xffff, v24;
	v52 =	vld [tilespmem:s7+$0xFFFFFF90]  }
0x49: {  	[tilespmem:s7+$0xFFFFFE40] =	vst v5;
	v5 =	vadd.f32 v47, v27;
	v4 =	vadd.f32 v48, v4;
	v53 =	vperm.xlane v51, v0  }
0x4a: {  	[tilespmem:s7+$0xFFFFFEC0] =	vst v6;
	v6 =	vsub.f32 v1, v7;
	v3 =	vadd.f32 v50, v3  }
0x4b: {  	v9 =	vld [tilespmem:s7+$0xFFFFFC80];
	(xrf2) =	vadd.scan.msk.f32 $0xffff, v14;
	[tilespmem:s7+$0xFFFFFF40] =	vst v5;
	v5 =	vsub.f32 v4, v46;
	v2 =	vadd.f32 v53, v2;
	v7, _, _ =	vpop (xrf2)  }
0x4c: {  	v57 =	vld [tilespmem:s7+$0xFFFFFD00];
	(xrf2) =	vadd.scan.msk.f32 $0xffff, v21;
	v6 =	vadd.f32 v6, v56;
	v54 =	vsub.f32 v3, v49;
	v55 =	vperm.xlane v7, v0;
	v56, _, _ =	vpop (xrf2)  }
0x4d: {  	v61 =	vld [tilespmem:s7+$0xFFFFFD80];
	v5 =	vadd.f32 v5, v59;
	v58 =	vsub.f32 v2, v51;
	v59 =	vperm.xlane v56, v0;
	v60, _, _ =	vpop (xrf2);
	(xrf2) =	vadd.scan.msk.f32 $0xffff, v52  }
0x4e: {  	[tilespmem:s7+$0xFFFFFFC0] =	vst v6;
	v6 =	vadd.f32 v54, v63;
	v1 =	vadd.f32 v55, v1;
	v62 =	vperm.xlane v60, v0;
	v63 =	vld [tilespmem:s7+$0xFFFFFE00]  }
0x4f: {  	[tilespmem:s7+$0xFFFFFE30] =	vst v5;
	v5 =	vadd.f32 v58, v30;
	v4 =	vadd.f32 v59, v4  }
0x50: {  	(xrf2) =	vadd.scan.msk.f32 $0xffff, v9;
	[tilespmem:s7+$0xFFFFFEB0] =	vst v6;
	v6 =	vsub.f32 v1, v7;
	v3 =	vadd.f32 v62, v3;
	v7, _, _ =	vpop (xrf2)  }
0x51: {  	v32 =	vld [tilespmem:s7+$0xFFFFFC70];
	(xrf2) =	vadd.scan.msk.f32 $0xffff, v57;
	[tilespmem:s7+$0xFFFFFF30] =	vst v5;
	v5 =	vsub.f32 v4, v56;
	v30 =	vperm.xlane v7, v0;
	v31, _, _ =	vpop (xrf2)  }
0x52: {  	v36 =	vld [tilespmem:s7+$0xFFFFFCF0];
	(xrf2) =	vadd.scan.msk.f32 $0xffff, v61;
	v6 =	vadd.f32 v6, v33;
	v33 =	vsub.f32 v3, v60;
	v34 =	vperm.xlane v31, v0;
	v35, _, _ =	vpop (xrf2)  }
0x53: {  	v5 =	vadd.f32 v5, v18;
	v2 =	vadd.f32 v30, v2;
	v37 =	vperm.xlane v35, v0;
	(xrf2) =	vadd.scan.msk.f32 $0xffff, v63;
	v18 =	vld [tilespmem:s7+$0xFFFFFD70]  }
0x54: {  	v12 =	vld [tilespmem:s7+$0xFFFFFDF0];
	[tilespmem:s7+$0xFFFFFFB0] =	vst v6;
	v6 =	vadd.f32 v33, v20;
	v1 =	vadd.f32 v34, v1  }
0x55: {  	[tilespmem:s7+$0xFFFFFE20] =	vst v5;
	v5 =	vsub.f32 v2, v7;
	v4 =	vadd.f32 v37, v4;
	v7, _, _ =	vpop (xrf2)  }
0x56: {  	v43 =	vld [tilespmem:s7+$0xFFFFFC60];
	(xrf2) =	vadd.scan.msk.f32 $0xffff, v32;
	[tilespmem:s7+$0xFFFFFEA0] =	vst v6;
	v6 =	vsub.f32 v1, v31;
	v38 =	vperm.xlane v7, v0;
	v39, _, _ =	vpop (xrf2)  }
0x57: {  	(xrf2) =	vadd.scan.msk.f32 $0xffff, v36;
	v5 =	vadd.f32 v5, v40;
	v40 =	vsub.f32 v4, v35;
	v41 =	vperm.xlane v39, v0;
	v42, _, _ =	vpop (xrf2)  }
0x58: {  	v6 =	vadd.f32 v6, v22;
	v3 =	vadd.f32 v38, v3;
	v44 =	vperm.xlane v42, v0;
	(xrf2) =	vadd.scan.msk.f32 $0xffff, v18;
	v22 =	vld [tilespmem:s7+$0xFFFFFCE0]  }
0x59: {  	v13 =	vld [tilespmem:s7+$0xFFFFFD60];
	[tilespmem:s7+$0xFFFFFF20] =	vst v5;
	v5 =	vadd.f32 v40, v24;
	v2 =	vadd.f32 v41, v2;
	(xrf2) =	vadd.scan.msk.f32 $0xffff, v12  }
0x5a: {  	[tilespmem:s7+$0xFFFFFFA0] =	vst v6;
	v6 =	vsub.f32 v3, v7;
	v1 =	vadd.f32 v44, v1;
	v7, _, _ =	vpop (xrf2)  }
0x5b: {  	v8 =	vld [tilespmem:s7+$0xFFFFFDE0];
	(xrf2) =	vadd.scan.msk.f32 $0xffff, v43;
	[tilespmem:s7+$0xFFFFFE10] =	vst v5;
	v5 =	vsub.f32 v2, v39;
	v45 =	vperm.xlane v7, v0;
	v46, _, _ =	vpop (xrf2)  }
0x5c: {  	v25 =	vld [tilespmem:s7+$0xFFFFFC50];
	v6 =	vadd.f32 v6, v14;
	v47 =	vsub.f32 v1, v42;
	v48 =	vperm.xlane v46, v0;
	v49, _, _ =	vpop (xrf2)  }
0x5d: {  	v26 =	vld [tilespmem:s7+$0xFFFFFCD0];
	v5 =	vadd.f32 v5, v21;
	v4 =	vadd.f32 v45, v4;
	v50 =	vperm.xlane v49, v0;
	v51, _, _ =	vpop (xrf2);
	(xrf2) =	vadd.scan.msk.f32 $0xffff, v22  }
0x5e: {  	v14 =	vadd.f32 v47, v52;
	v3 =	vadd.f32 v48, v3;
	v52 =	vperm.xlane v51, v0;
	(xrf2) =	vadd.scan.msk.f32 $0xffff, v13  }
0x5f: {  	[tilespmem:s7+$0xFFFFFE90] =	vst v6;
	v6 =	vsub.f32 v4, v7;
	v2 =	vadd.f32 v50, v2  }
0x60: {  	(xrf2) =	vadd.scan.msk.f32 $0xffff, v8;
	v7 =	vld [tilespmem:s7+$0xFFFFFD50];
	[tilespmem:s7+$0xFFFFFF10] =	vst v5;
	v53, _, _ =	vpop (xrf2);
	v5 =	vsub.f32 v3, v46;
	v1 =	vadd.f32 v52, v1  }
0x61: {  	v16 =	vld [tilespmem:s7+$0xFFFFFDD0];
	v55 =	vperm.xlane v53, v0;
	v56, _, _ =	vpop (xrf2);
	(xrf2) =	vadd.scan.msk.f32 $0xffff, v25;
	v6 =	vadd.f32 v6, v9;
	v54 =	vsub.f32 v2, v49  }
0x62: {  	v28 =	vld [tilespmem:s7+$0xFFFFFC40];
	v58 =	vperm.xlane v56, v0;
	(xrf2) =	vadd.scan.msk.f32 $0xffff, v26;
	v5 =	vadd.f32 v5, v57;
	v57 =	vsub.f32 v1, v51;
	v59, _, _ =	vpop (xrf2)  }
0x63: {  	v21 =	vld [tilespmem:s7+$0xFFFFFCC0];
	v4 =	vadd.f32 v55, v4;
	v9 =	vadd.f32 v54, v61;
	v60 =	vperm.xlane v59, v0;
	v61, _, _ =	vpop (xrf2)  }
0x64: {  	v3 =	vadd.f32 v58, v3;
	[tilespmem:s7+$0xFFFFFC80] =	vst v6;
	v11 =	vadd.f32 v57, v63;
	v62 =	vperm.xlane v61, v0  }
0x65: {  	v10 =	vld [tilespmem:s7+$0xFFFFFD40];
	(xrf2) =	vadd.scan.msk.f32 $0xffff, v7;
	v6 =	vsub.f32 v4, v53;
	[tilespmem:s7+$0xFFFFFD00] =	vst v5;
	v63, _, _ =	vpop (xrf2);
	v2 =	vadd.f32 v60, v2  }
0x66: {  	v17 =	vld [tilespmem:s7+$0xFFFFFDC0];
	(xrf2) =	vadd.scan.msk.f32 $0xffff, v16;
	v5 =	vsub.f32 v3, v56;
	v33 =	vperm.xlane v63, v0;
	v1 =	vadd.f32 v62, v1  }
0x67: {  	[tilespmem:s7+$0xFFFFFF90] =	vst v14;
	v6 =	vadd.f32 v6, v32;
	(xrf2) =	vadd.scan.msk.f32 $0xffff, v28;
	v32 =	vsub.f32 v2, v59;
	v34, _, _ =	vpop (xrf2)  }
0x68: {  	v29 =	vld [tilespmem:s7+$0xFFFFFC30];
	v5 =	vadd.f32 v5, v36;
	v4 =	vadd.f32 v33, v4;
	(xrf2) =	vadd.scan.msk.f32 $0xffff, v21;
	v36 =	vperm.xlane v34, v0;
	v37, _, _ =	vpop (xrf2)  }
0x69: {  	v24 =	vld [tilespmem:s7+$0xFFFFFCB0];
	[tilespmem:s7+$0xFFFFFD80] =	vst v9;
	v35 =	vsub.f32 v1, v61;
	v9 =	vadd.f32 v32, v18;
	v38 =	vperm.xlane v37, v0  }
0x6a: {  	(xrf2) =	vadd.scan.msk.f32 $0xffff, v10;
	[tilespmem:s7+$0xFFFFFC70] =	vst v6;
	v39, _, _ =	vpop (xrf2);
	v41 =	vsub.f32 v4, v63;
	v3 =	vadd.f32 v36, v3  }
0x6b: {  	v14 =	vld [tilespmem:s7+$0xFFFFFD30];
	(xrf2) =	vadd.scan.msk.f32 $0xffff, v17;
	v12 =	vadd.f32 v35, v12;
	v40 =	vperm.xlane v39, v0;
	v42, _, _ =	vpop (xrf2);
	v2 =	vadd.f32 v38, v2  }
0x6c: {  	[tilespmem:s7+$0xFFFFFCF0] =	vst v5;
	v5 =	vadd.f32 v41, v43;
	v44 =	vperm.xlane v42, v0;
	v45, _, _ =	vpop (xrf2);
	v6 =	vsub.f32 v3, v34  }
0x6d: {  	v19 =	vld [tilespmem:s7+$0xFFFFFDB0];
	(xrf2) =	vadd.scan.msk.f32 $0xffff, v29;
	v1 =	vadd.f32 v40, v1;
	v46 =	vperm.xlane v45, v0;
	v43 =	vsub.f32 v2, v37  }
0x6e: {  	v30 =	vld [tilespmem:s7+$0xFFFFFC20];
	[tilespmem:s7+$0xFFFFFE00] =	vst v11;
	(xrf2) =	vadd.scan.msk.f32 $0xffff, v24;
	v4 =	vadd.f32 v44, v4;
	v6 =	vadd.f32 v6, v22  }
0x6f: {  	[tilespmem:s7+$0xFFFFFDF0] =	vst v12;
	v18 =	vsub.f32 v1, v39;
	v47, _, _ =	vpop (xrf2);
	v3 =	vadd.f32 v46, v3  }
0x70: {  	(xrf2) =	vadd.scan.msk.f32 $0xffff, v14;
	v22 =	vld [tilespmem:s7+$0xFFFFFCA0];
	v11 =	vadd.f32 v43, v13;
	v48 =	vperm.xlane v47, v0;
	v49, _, _ =	vpop (xrf2);
	v51 =	vsub.f32 v4, v42  }
0x71: {  	[tilespmem:s7+$0xFFFFFC60] =	vst v5;
	v13 =	vld [tilespmem:s7+$0xFFFFFD20];
	v8 =	vadd.f32 v18, v8;
	v50 =	vperm.xlane v49, v0;
	v52 =	vsub.f32 v3, v45;
	v53, _, _ =	vpop (xrf2)  }
0x72: {  	(xrf2) =	vadd.scan.msk.f32 $0xffff, v19;
	v2 =	vadd.f32 v48, v2;
	v5 =	vadd.f32 v51, v25;
	v55 =	vperm.xlane v53, v0;
	v56, _, _ =	vpop (xrf2)  }
0x73: {  	v18 =	vld [tilespmem:s7+$0xFFFFFDA0];
	(xrf2) =	vadd.scan.msk.f32 $0xffff, v30;
	v1 =	vadd.f32 v50, v1;
	v12 =	vadd.f32 v52, v26;
	v57 =	vperm.xlane v56, v0  }
0x74: {  	[tilespmem:s7+$0xFFFFFCE0] =	vst v6;
	v58, _, _ =	vpop (xrf2);
	v54 =	vsub.f32 v2, v47;
	v4 =	vadd.f32 v55, v4  }
0x75: {  	v59 =	vperm.xlane v58, v0;
	v60, _, _ =	vpop (xrf2);
	(xrf2) =	vadd.scan.msk.f32 $0xffff, v22;
	v20 =	vsub.f32 v1, v49;
	v3 =	vadd.f32 v57, v3  }
0x76: {  	v31 =	vld [tilespmem:s7+$0xFFFFFC10];
	v61 =	vperm.xlane v60, v0;
	(xrf2) =	vadd.scan.msk.f32 $0xffff, v13;
	v7 =	vadd.f32 v54, v7;
	v6 =	vsub.f32 v4, v53  }
0x77: {  	[tilespmem:s7+$0xFFFFFD70] =	vst v9;
	v26 =	vld [tilespmem:s7+$0xFFFFFC90];
	v63, _, _ =	vpop (xrf2);
	v2 =	vadd.f32 v59, v2;
	v16 =	vadd.f32 v20, v16  }
0x78: {  	v9 =	vld [tilespmem:s7+$0xFFFFFD10];
	(xrf2) =	vadd.scan.msk.f32 $0xffff, v18;
	v33 =	vperm.xlane v63, v0;
	v34, _, _ =	vpop (xrf2);
	v62 =	vsub.f32 v3, v56;
	v1 =	vadd.f32 v61, v1  }
0x79: {  	[tilespmem:s7+$0xFFFFFD60] =	vst v11;
	v20 =	vld [tilespmem:s7+$0xFFFFFD90];
	v36 =	vperm.xlane v34, v0;
	v6 =	vadd.f32 v6, v28;
	v32 =	vsub.f32 v2, v58  }
0x7a: {  	[tilespmem:s7+$0xFFFFFDE0] =	vst v8;
	v4 =	vadd.f32 v33, v4;
	v11 =	vadd.f32 v62, v21;
	v37, _, _ =	vpop (xrf2)  }
0x7b: {  	(xrf2) =	vadd.scan.msk.f32 $0xffff, v31;
	v35 =	vsub.f32 v1, v60;
	v3 =	vadd.f32 v36, v3;
	v38 =	vperm.xlane v37, v0  }
0x7c: {  	[tilespmem:s7+$0xFFFFFC50] =	vst v5;
	(xrf2) =	vadd.scan.msk.f32 $0xffff, v26;
	v8 =	vadd.f32 v32, v10;
	v39, _, _ =	vpop (xrf2);
	v5 =	vsub.f32 v4, v63  }
0x7d: {  	(xrf2) =	vadd.scan.msk.f32 $0xffff, v9;
	v17 =	vadd.f32 v35, v17;
	v41, _, _ =	vpop (xrf2);
	v2 =	vadd.f32 v38, v2  }
0x7e: {  	v40 =	vperm.xlane v39, v0;
	v42 =	vsub.f32 v3, v34;
	(xrf2) =	vadd.scan.msk.f32 $0xffff, v20;
	v44 =	vperm.xlane v41, v0  }
0x7f: {  	[tilespmem:s7+$0xFFFFFD50] =	vst v7;
	v5 =	vadd.f32 v5, v29;
	v43, _, _ =	vpop (xrf2);
	v7 =	vsub.f32 v2, v37  }
0x80: {  	[tilespmem:s7+$0xFFFFFCD0] =	vst v12;
	v1 =	vadd.f32 v40, v1;
	v4 =	vadd.f32 v44, v4;
	v45, _, _ =	vpop (xrf2)  }
0x81: {  	[tilespmem:s7+$0xFFFFFC40] =	vst v6;
	v47 =	vperm.xlane v43, v0;
	v6 =	vadd.f32 v7, v14;
	v7 =	vperm.xlane v45, v0  }
0x82: {  	[tilespmem:s7+$0xFFFFFDD0] =	vst v16;
	v12 =	vadd.f32 v42, v24;
	v46 =	vsub.f32 v1, v39;
	v48, _, _ =	vpop (xrf2)  }
0x83: {  	[tilespmem:s7+$0xFFFFFCC0] =	vst v11;
	v51 =	vsub.f32 v4, v41;
	v3 =	vadd.f32 v47, v3;
	v50 =	vperm.xlane v48, v0  }
0x84: {  	[tilespmem:s7+$0xFFFFFD40] =	vst v8;
	v49 =	vadd.f32 v46, v19;
	v2 =	vadd.f32 v7, v2  }
0x85: {  	[tilespmem:s7+$0xFFFFFDC0] =	vst v17;
	v52 =	vsub.f32 v3, v43;
	v1 =	vadd.f32 v50, v1;
	v7, _, _ =	vpop (xrf2)  }
0x86: {  	[tilespmem:s7+$0xFFFFFC30] =	vst v5;
	v5 =	vadd.f32 v51, v30;
	v54 =	vsub.f32 v2, v45;
	v53, _, _ =	vpop (xrf2);
	v55 =	vperm.xlane v7, v0  }
0x87: {  	[tilespmem:s7+$0xFFFFFCB0] =	vst v12;
	v10 =	vadd.f32 v52, v22;
	v57 =	vsub.f32 v1, v48;
	v56, _, _ =	vpop (xrf2);
	v58 =	vperm.xlane v53, v0  }
0x88: {  	[tilespmem:s7+$0xFFFFFD30] =	vst v6;
	v6 =	vadd.f32 v54, v13;
	v4 =	vadd.f32 v55, v4;
	v59 =	vperm.xlane v56, v0;
	v60, _, _ =	vpop (xrf2)  }
0x89: {  	[tilespmem:s7+$0xFFFFFDB0] =	vst v49;
	v61 =	vadd.f32 v57, v18;
	v3 =	vadd.f32 v58, v3;
	v62 =	vperm.xlane v60, v0  }
0x8a: {  	[tilespmem:s7+$0xFFFFFC20] =	vst v5;
	v2 =	vadd.f32 v59, v2;
	v5 =	vsub.f32 v4, v7  }
0x8b: {  	s2 =	sadd.s32 $0x10, s2;
	[tilespmem:s7+$0xFFFFFCA0] =	vst v10;
	v1 =	vadd.f32 v62, v1;
	v7 =	vsub.f32 v3, v53  }
0x8c: {  	p1 =	slt.u32 s2, $0xF0;
	[tilespmem:s7+$0xFFFFFD20] =	vst v6;
	v5 =	vadd.f32 v5, v31;
	v6 =	vsub.f32 v2, v56  }
.Ltmp0:
0x8d: {  	[tilespmem:s7+$0xFFFFFDA0] =	vst v61;
	v7 =	vadd.f32 v7, v26;
	v63 =	vsub.f32 v1, v60;
	(pc) =	sbr.rel @p1 .LBB2_3-.Ltmp0, $4  }
0x8e: {  	[tilespmem:s7+$0xFFFFFC10] =	vst v5;
	v5 =	vadd.f32 v6, v9  }
0x8f: {  	[tilespmem:s7+$0xFFFFFC90] =	vst v7;
	v6 =	vadd.f32 v63, v20  }
0x90: {  	[tilespmem:s7+$0xFFFFFD10] =	vst v5  }
0x91: {  	[tilespmem:s7+$0xFFFFFD90] =	vst v6;
	s7 =	sadd.s32 $0xFFFFFC00, s7  }
0x92: {  	s2 =	sor.u32 s5, s30  }
0x93: {  	s7 =	sadd.s32 s3, s2  }
0x94: {  	[hbm4b:s7+s14] =	stream.strided.scatter [tilespmem:s4], [sflag:$0x5], $0x4000, s15, s14, $0x38;
	[tilespmem:$0x10000] =	vst v63  }
0x95: {  	s7 =	simm.s32 @!p0 $0x8  }
0x96: {  	_ =	swait.ge @!p0 [sflag:s7], $0x4000  }
0x97: {  	s31 =	sadd.s32 s9, s30;
	[sflag:s7] =	ssyncset.done @!p0 $0x0  }
0x98: {  	s13 =	sadd.s32 s1, s31;
	[sflag:s7] =	ssyncadd.s32 @!p0 $0xFFFFC000  }
0x99: {  	[tilespmem:s19], [sflag:$0x4] =	stream.strided.gather [hbm4b:s13+s14], $0x4000, s15, s14, $0x38;
	[tilespmem:$0x10000] =	vst v63  }
0x9a: {  	_ =	swait.ge [sflag:s20], $0x4000  }
0x9b: {  	v1 =	vimm.f32 $0.0e+00;
	[sflag:s20] =	ssyncset.done $0x0  }
0x9c: {  	v2 =	vimm.f32 $0.0e+00;
	v3 =	vimm.f32 $0.0e+00;
	v4 =	vimm.f32 $0.0e+00;
	s7 =	simm.s32 $0xFFFFFFF0;
	s13 =	simm.s32 $0x7FF0;
	[sflag:s20] =	ssyncadd.s32 $0xFFFFC000  }
.LBB2_5:
0x9d: {  	v5 =	vld [tilespmem:s13+$0xFFFFFE80]  }
0x9e: {  	v6 =	vld [tilespmem:s13+$0xFFFFFF00]  }
0x9f: {  	v7 =	vld [tilespmem:s13+$0xFFFFFF80];
	_ =	sdelay $0x2  }
0xa0: {  	v8 =	vld [tilespmem:s13+$0x0];
	(xrf2) =	vadd.scan.msk.f32 $0xffff, v5  }
0xa1: {  	v9 =	vld [tilespmem:s13+$0xFFFFFE70];
	(xrf2) =	vadd.scan.msk.f32 $0xffff, v6  }
0xa2: {  	v10 =	vld [tilespmem:s13+$0xFFFFFEF0];
	(xrf2) =	vadd.scan.msk.f32 $0xffff, v7;
	_ =	sdelay $0x2  }
0xa3: {  	v11 =	vld [tilespmem:s13+$0xFFFFFF70];
	(xrf2) =	vadd.scan.msk.f32 $0xffff, v8  }
0xa4: {  	v12 =	vld [tilespmem:s13+$0xFFFFFFF0];
	(xrf2) =	vadd.scan.msk.f32 $0xffff, v9  }
0xa5: {  	v13 =	vld [tilespmem:s13+$0xFFFFFE60];
	(xrf2) =	vadd.scan.msk.f32 $0xffff, v10  }
0xa6: {  	v14 =	vld [tilespmem:s13+$0xFFFFFEE0];
	_ =	sdelay $0x1  }
0xa7: {  	v15, _, _ =	vpop (xrf2);
	(xrf2) =	vadd.scan.msk.f32 $0xffff, v11  }
0xa8: {  	v18 =	vld [tilespmem:s13+$0xFFFFFF60];
	v16 =	vperm.xlane v15, v0;
	v17, _, _ =	vpop (xrf2);
	(xrf2) =	vadd.scan.msk.f32 $0xffff, v12  }
0xa9: {  	v21 =	vld [tilespmem:s13+$0xFFFFFFE0];
	v19 =	vperm.xlane v17, v0;
	v20, _, _ =	vpop (xrf2);
	(xrf2) =	vadd.scan.msk.f32 $0xffff, v13  }
0xaa: {  	v22 =	vld [tilespmem:s13+$0xFFFFFE50];
	v4 =	vadd.f32 v16, v4;
	v39 =	vperm.xlane v20, v0;
	(xrf2) =	vadd.scan.msk.f32 $0xffff, v14  }
0xab: {  	v3 =	vadd.f32 v19, v3  }
0xac: {  	v40, _, _ =	vpop (xrf2);
	v15 =	vsub.f32 v4, v15;
	v2 =	vadd.f32 v39, v2  }
0xad: {  	v24 =	vld [tilespmem:s13+$0xFFFFFED0];
	v41 =	vperm.xlane v40, v0;
	v23, _, _ =	vpop (xrf2);
	(xrf2) =	vadd.scan.msk.f32 $0xffff, v18;
	v17 =	vsub.f32 v3, v17  }
0xae: {  	v26 =	vld [tilespmem:s13+$0xFFFFFF50];
	v43 =	vperm.xlane v23, v0;
	v25, _, _ =	vpop (xrf2);
	(xrf2) =	vadd.scan.msk.f32 $0xffff, v21;
	v5 =	vadd.f32 v15, v5;
	v42 =	vsub.f32 v2, v20  }
0xaf: {  	v45 =	vld [tilespmem:s13+$0xFFFFFFD0];
	v1 =	vadd.f32 v41, v1;
	v44 =	vperm.xlane v25, v0;
	(xrf2) =	vadd.scan.msk.f32 $0xffff, v22;
	v6 =	vadd.f32 v17, v6  }
0xb0: {  	v4 =	vadd.f32 v43, v4;
	[tilespmem:s13+$0xFFFFFE80] =	vst v5;
	v5 =	vadd.f32 v42, v7  }
0xb1: {  	v3 =	vadd.f32 v44, v3;
	[tilespmem:s13+$0xFFFFFF00] =	vst v6;
	v6 =	vsub.f32 v1, v40;
	v7, _, _ =	vpop (xrf2)  }
0xb2: {  	v48 =	vld [tilespmem:s13+$0xFFFFFE40];
	[tilespmem:s13+$0xFFFFFF80] =	vst v5;
	v5 =	vsub.f32 v4, v23;
	v46 =	vperm.xlane v7, v0;
	v47, _, _ =	vpop (xrf2);
	(xrf2) =	vadd.scan.msk.f32 $0xffff, v24  }
0xb3: {  	v52 =	vld [tilespmem:s13+$0xFFFFFEC0];
	v49 =	vsub.f32 v3, v25;
	v6 =	vadd.f32 v6, v8;
	v50 =	vperm.xlane v47, v0;
	v51, _, _ =	vpop (xrf2);
	(xrf2) =	vadd.scan.msk.f32 $0xffff, v26  }
0xb4: {  	v27 =	vld [tilespmem:s13+$0xFFFFFF40];
	v5 =	vadd.f32 v5, v9;
	v2 =	vadd.f32 v46, v2;
	v53 =	vperm.xlane v51, v0;
	v54, _, _ =	vpop (xrf2);
	(xrf2) =	vadd.scan.msk.f32 $0xffff, v45  }
0xb5: {  	[tilespmem:s13+$0x0] =	vst v6;
	v6 =	vadd.f32 v49, v10;
	v1 =	vadd.f32 v50, v1;
	v55 =	vperm.xlane v54, v0  }
0xb6: {  	[tilespmem:s13+$0xFFFFFE70] =	vst v5;
	v5 =	vsub.f32 v2, v7;
	v4 =	vadd.f32 v53, v4  }
0xb7: {  	v56 =	vld [tilespmem:s13+$0xFFFFFFC0];
	(xrf2) =	vadd.scan.msk.f32 $0xffff, v48;
	v7, _, _ =	vpop (xrf2);
	[tilespmem:s13+$0xFFFFFEF0] =	vst v6;
	v6 =	vsub.f32 v1, v47;
	v3 =	vadd.f32 v55, v3  }
0xb8: {  	v59 =	vld [tilespmem:s13+$0xFFFFFE30];
	(xrf2) =	vadd.scan.msk.f32 $0xffff, v52;
	v57 =	vperm.xlane v7, v0;
	v58, _, _ =	vpop (xrf2);
	v5 =	vadd.f32 v5, v11;
	v9 =	vsub.f32 v4, v51  }
0xb9: {  	v63 =	vld [tilespmem:s13+$0xFFFFFEB0];
	v61 =	vperm.xlane v58, v0;
	v62, _, _ =	vpop (xrf2);
	(xrf2) =	vadd.scan.msk.f32 $0xffff, v27;
	v6 =	vadd.f32 v6, v12;
	v60 =	vsub.f32 v3, v54  }
0xba: {  	v30 =	vld [tilespmem:s13+$0xFFFFFF30];
	v2 =	vadd.f32 v57, v2;
	v29 =	vperm.xlane v62, v0;
	[tilespmem:s13+$0xFFFFFF70] =	vst v5;
	v5 =	vadd.f32 v9, v13  }
0xbb: {  	v1 =	vadd.f32 v61, v1;
	[tilespmem:s13+$0xFFFFFFF0] =	vst v6;
	v6 =	vadd.f32 v60, v14  }
0xbc: {  	(xrf2) =	vadd.scan.msk.f32 $0xffff, v56;
	v4 =	vadd.f32 v29, v4;
	[tilespmem:s13+$0xFFFFFE60] =	vst v5;
	v5 =	vsub.f32 v2, v7;
	v7, _, _ =	vpop (xrf2)  }
0xbd: {  	v33 =	vld [tilespmem:s13+$0xFFFFFFB0];
	(xrf2) =	vadd.scan.msk.f32 $0xffff, v59;
	[tilespmem:s13+$0xFFFFFEE0] =	vst v6;
	v6 =	vsub.f32 v1, v58;
	v31 =	vperm.xlane v7, v0;
	v32, _, _ =	vpop (xrf2)  }
0xbe: {  	v34 =	vsub.f32 v4, v62;
	(xrf2) =	vadd.scan.msk.f32 $0xffff, v63;
	v5 =	vadd.f32 v5, v18;
	v35 =	vperm.xlane v32, v0;
	v36, _, _ =	vpop (xrf2);
	v18 =	vld [tilespmem:s13+$0xFFFFFE20]  }
0xbf: {  	v20 =	vld [tilespmem:s13+$0xFFFFFEA0];
	(xrf2) =	vadd.scan.msk.f32 $0xffff, v30;
	v6 =	vadd.f32 v6, v21;
	v3 =	vadd.f32 v31, v3;
	v37 =	vperm.xlane v36, v0  }
0xc0: {  	[tilespmem:s13+$0xFFFFFF60] =	vst v5;
	v5 =	vadd.f32 v34, v22;
	v2 =	vadd.f32 v35, v2  }
0xc1: {  	[tilespmem:s13+$0xFFFFFFE0] =	vst v6;
	v6 =	vsub.f32 v3, v7;
	v1 =	vadd.f32 v37, v1;
	v7, _, _ =	vpop (xrf2)  }
0xc2: {  	v40 =	vld [tilespmem:s13+$0xFFFFFF20];
	[tilespmem:s13+$0xFFFFFE50] =	vst v5;
	v5 =	vsub.f32 v2, v32;
	v38 =	vperm.xlane v7, v0;
	v39, _, _ =	vpop (xrf2);
	(xrf2) =	vadd.scan.msk.f32 $0xffff, v33  }
0xc3: {  	v22 =	vld [tilespmem:s13+$0xFFFFFFA0];
	v6 =	vadd.f32 v6, v24;
	v41 =	vsub.f32 v1, v36;
	v42 =	vperm.xlane v39, v0;
	v43, _, _ =	vpop (xrf2);
	(xrf2) =	vadd.scan.msk.f32 $0xffff, v18  }
0xc4: {  	v24 =	vld [tilespmem:s13+$0xFFFFFE10];
	v5 =	vadd.f32 v5, v26;
	v4 =	vadd.f32 v38, v4;
	v44 =	vperm.xlane v43, v0;
	(xrf2) =	vadd.scan.msk.f32 $0xffff, v20  }
0xc5: {  	[tilespmem:s13+$0xFFFFFED0] =	vst v6;
	v6 =	vadd.f32 v41, v45;
	v3 =	vadd.f32 v42, v3  }
0xc6: {  	[tilespmem:s13+$0xFFFFFF50] =	vst v5;
	v5 =	vsub.f32 v4, v7;
	v2 =	vadd.f32 v44, v2;
	v7, _, _ =	vpop (xrf2)  }
0xc7: {  	v14 =	vld [tilespmem:s13+$0xFFFFFE90];
	[tilespmem:s13+$0xFFFFFFD0] =	vst v6;
	v6 =	vsub.f32 v3, v39;
	v45 =	vperm.xlane v7, v0;
	v46, _, _ =	vpop (xrf2);
	(xrf2) =	vadd.scan.msk.f32 $0xffff, v40  }
0xc8: {  	v21 =	vld [tilespmem:s13+$0xFFFFFF10];
	v5 =	vadd.f32 v5, v48;
	v47 =	vsub.f32 v2, v43;
	v48 =	vperm.xlane v46, v0;
	v49, _, _ =	vpop (xrf2);
	(xrf2) =	vadd.scan.msk.f32 $0xffff, v22  }
0xc9: {  	v6 =	vadd.f32 v6, v52;
	v1 =	vadd.f32 v45, v1;
	v50 =	vperm.xlane v49, v0;
	v51, _, _ =	vpop (xrf2);
	(xrf2) =	vadd.scan.msk.f32 $0xffff, v24;
	v52 =	vld [tilespmem:s13+$0xFFFFFF90]  }
0xca: {  	[tilespmem:s13+$0xFFFFFE40] =	vst v5;
	v5 =	vadd.f32 v47, v27;
	v4 =	vadd.f32 v48, v4;
	v53 =	vperm.xlane v51, v0  }
0xcb: {  	[tilespmem:s13+$0xFFFFFEC0] =	vst v6;
	v6 =	vsub.f32 v1, v7;
	v3 =	vadd.f32 v50, v3  }
0xcc: {  	v9 =	vld [tilespmem:s13+$0xFFFFFC80];
	(xrf2) =	vadd.scan.msk.f32 $0xffff, v14;
	[tilespmem:s13+$0xFFFFFF40] =	vst v5;
	v5 =	vsub.f32 v4, v46;
	v2 =	vadd.f32 v53, v2;
	v7, _, _ =	vpop (xrf2)  }
0xcd: {  	v57 =	vld [tilespmem:s13+$0xFFFFFD00];
	(xrf2) =	vadd.scan.msk.f32 $0xffff, v21;
	v6 =	vadd.f32 v6, v56;
	v54 =	vsub.f32 v3, v49;
	v55 =	vperm.xlane v7, v0;
	v56, _, _ =	vpop (xrf2)  }
0xce: {  	v61 =	vld [tilespmem:s13+$0xFFFFFD80];
	v5 =	vadd.f32 v5, v59;
	v58 =	vsub.f32 v2, v51;
	v59 =	vperm.xlane v56, v0;
	v60, _, _ =	vpop (xrf2);
	(xrf2) =	vadd.scan.msk.f32 $0xffff, v52  }
0xcf: {  	[tilespmem:s13+$0xFFFFFFC0] =	vst v6;
	v6 =	vadd.f32 v54, v63;
	v1 =	vadd.f32 v55, v1;
	v62 =	vperm.xlane v60, v0;
	v63 =	vld [tilespmem:s13+$0xFFFFFE00]  }
0xd0: {  	[tilespmem:s13+$0xFFFFFE30] =	vst v5;
	v5 =	vadd.f32 v58, v30;
	v4 =	vadd.f32 v59, v4  }
0xd1: {  	(xrf2) =	vadd.scan.msk.f32 $0xffff, v9;
	[tilespmem:s13+$0xFFFFFEB0] =	vst v6;
	v6 =	vsub.f32 v1, v7;
	v3 =	vadd.f32 v62, v3;
	v7, _, _ =	vpop (xrf2)  }
0xd2: {  	v32 =	vld [tilespmem:s13+$0xFFFFFC70];
	(xrf2) =	vadd.scan.msk.f32 $0xffff, v57;
	[tilespmem:s13+$0xFFFFFF30] =	vst v5;
	v5 =	vsub.f32 v4, v56;
	v30 =	vperm.xlane v7, v0;
	v31, _, _ =	vpop (xrf2)  }
0xd3: {  	v36 =	vld [tilespmem:s13+$0xFFFFFCF0];
	(xrf2) =	vadd.scan.msk.f32 $0xffff, v61;
	v6 =	vadd.f32 v6, v33;
	v33 =	vsub.f32 v3, v60;
	v34 =	vperm.xlane v31, v0;
	v35, _, _ =	vpop (xrf2)  }
0xd4: {  	v5 =	vadd.f32 v5, v18;
	v2 =	vadd.f32 v30, v2;
	v37 =	vperm.xlane v35, v0;
	(xrf2) =	vadd.scan.msk.f32 $0xffff, v63;
	v18 =	vld [tilespmem:s13+$0xFFFFFD70]  }
0xd5: {  	v12 =	vld [tilespmem:s13+$0xFFFFFDF0];
	[tilespmem:s13+$0xFFFFFFB0] =	vst v6;
	v6 =	vadd.f32 v33, v20;
	v1 =	vadd.f32 v34, v1  }
0xd6: {  	[tilespmem:s13+$0xFFFFFE20] =	vst v5;
	v5 =	vsub.f32 v2, v7;
	v4 =	vadd.f32 v37, v4;
	v7, _, _ =	vpop (xrf2)  }
0xd7: {  	v43 =	vld [tilespmem:s13+$0xFFFFFC60];
	(xrf2) =	vadd.scan.msk.f32 $0xffff, v32;
	[tilespmem:s13+$0xFFFFFEA0] =	vst v6;
	v6 =	vsub.f32 v1, v31;
	v38 =	vperm.xlane v7, v0;
	v39, _, _ =	vpop (xrf2)  }
0xd8: {  	(xrf2) =	vadd.scan.msk.f32 $0xffff, v36;
	v5 =	vadd.f32 v5, v40;
	v40 =	vsub.f32 v4, v35;
	v41 =	vperm.xlane v39, v0;
	v42, _, _ =	vpop (xrf2)  }
0xd9: {  	v6 =	vadd.f32 v6, v22;
	v3 =	vadd.f32 v38, v3;
	v44 =	vperm.xlane v42, v0;
	(xrf2) =	vadd.scan.msk.f32 $0xffff, v18;
	v22 =	vld [tilespmem:s13+$0xFFFFFCE0]  }
0xda: {  	v13 =	vld [tilespmem:s13+$0xFFFFFD60];
	[tilespmem:s13+$0xFFFFFF20] =	vst v5;
	v5 =	vadd.f32 v40, v24;
	v2 =	vadd.f32 v41, v2;
	(xrf2) =	vadd.scan.msk.f32 $0xffff, v12  }
0xdb: {  	[tilespmem:s13+$0xFFFFFFA0] =	vst v6;
	v6 =	vsub.f32 v3, v7;
	v1 =	vadd.f32 v44, v1;
	v7, _, _ =	vpop (xrf2)  }
0xdc: {  	v8 =	vld [tilespmem:s13+$0xFFFFFDE0];
	(xrf2) =	vadd.scan.msk.f32 $0xffff, v43;
	[tilespmem:s13+$0xFFFFFE10] =	vst v5;
	v5 =	vsub.f32 v2, v39;
	v45 =	vperm.xlane v7, v0;
	v46, _, _ =	vpop (xrf2)  }
0xdd: {  	v25 =	vld [tilespmem:s13+$0xFFFFFC50];
	v6 =	vadd.f32 v6, v14;
	v47 =	vsub.f32 v1, v42;
	v48 =	vperm.xlane v46, v0;
	v49, _, _ =	vpop (xrf2)  }
0xde: {  	v26 =	vld [tilespmem:s13+$0xFFFFFCD0];
	v5 =	vadd.f32 v5, v21;
	v4 =	vadd.f32 v45, v4;
	v50 =	vperm.xlane v49, v0;
	v51, _, _ =	vpop (xrf2);
	(xrf2) =	vadd.scan.msk.f32 $0xffff, v22  }
0xdf: {  	v14 =	vadd.f32 v47, v52;
	v3 =	vadd.f32 v48, v3;
	v52 =	vperm.xlane v51, v0;
	(xrf2) =	vadd.scan.msk.f32 $0xffff, v13  }
0xe0: {  	[tilespmem:s13+$0xFFFFFE90] =	vst v6;
	v6 =	vsub.f32 v4, v7;
	v2 =	vadd.f32 v50, v2  }
0xe1: {  	(xrf2) =	vadd.scan.msk.f32 $0xffff, v8;
	v7 =	vld [tilespmem:s13+$0xFFFFFD50];
	[tilespmem:s13+$0xFFFFFF10] =	vst v5;
	v53, _, _ =	vpop (xrf2);
	v5 =	vsub.f32 v3, v46;
	v1 =	vadd.f32 v52, v1  }
0xe2: {  	v16 =	vld [tilespmem:s13+$0xFFFFFDD0];
	v55 =	vperm.xlane v53, v0;
	v56, _, _ =	vpop (xrf2);
	(xrf2) =	vadd.scan.msk.f32 $0xffff, v25;
	v6 =	vadd.f32 v6, v9;
	v54 =	vsub.f32 v2, v49  }
0xe3: {  	v28 =	vld [tilespmem:s13+$0xFFFFFC40];
	v58 =	vperm.xlane v56, v0;
	(xrf2) =	vadd.scan.msk.f32 $0xffff, v26;
	v5 =	vadd.f32 v5, v57;
	v57 =	vsub.f32 v1, v51;
	v59, _, _ =	vpop (xrf2)  }
0xe4: {  	v21 =	vld [tilespmem:s13+$0xFFFFFCC0];
	v4 =	vadd.f32 v55, v4;
	v9 =	vadd.f32 v54, v61;
	v60 =	vperm.xlane v59, v0;
	v61, _, _ =	vpop (xrf2)  }
0xe5: {  	v3 =	vadd.f32 v58, v3;
	[tilespmem:s13+$0xFFFFFC80] =	vst v6;
	v11 =	vadd.f32 v57, v63;
	v62 =	vperm.xlane v61, v0  }
0xe6: {  	v10 =	vld [tilespmem:s13+$0xFFFFFD40];
	(xrf2) =	vadd.scan.msk.f32 $0xffff, v7;
	v6 =	vsub.f32 v4, v53;
	[tilespmem:s13+$0xFFFFFD00] =	vst v5;
	v63, _, _ =	vpop (xrf2);
	v2 =	vadd.f32 v60, v2  }
0xe7: {  	v17 =	vld [tilespmem:s13+$0xFFFFFDC0];
	(xrf2) =	vadd.scan.msk.f32 $0xffff, v16;
	v5 =	vsub.f32 v3, v56;
	v33 =	vperm.xlane v63, v0;
	v1 =	vadd.f32 v62, v1  }
0xe8: {  	[tilespmem:s13+$0xFFFFFF90] =	vst v14;
	v6 =	vadd.f32 v6, v32;
	(xrf2) =	vadd.scan.msk.f32 $0xffff, v28;
	v32 =	vsub.f32 v2, v59;
	v34, _, _ =	vpop (xrf2)  }
0xe9: {  	v29 =	vld [tilespmem:s13+$0xFFFFFC30];
	v5 =	vadd.f32 v5, v36;
	v4 =	vadd.f32 v33, v4;
	(xrf2) =	vadd.scan.msk.f32 $0xffff, v21;
	v36 =	vperm.xlane v34, v0;
	v37, _, _ =	vpop (xrf2)  }
0xea: {  	v24 =	vld [tilespmem:s13+$0xFFFFFCB0];
	[tilespmem:s13+$0xFFFFFD80] =	vst v9;
	v35 =	vsub.f32 v1, v61;
	v9 =	vadd.f32 v32, v18;
	v38 =	vperm.xlane v37, v0  }
0xeb: {  	(xrf2) =	vadd.scan.msk.f32 $0xffff, v10;
	[tilespmem:s13+$0xFFFFFC70] =	vst v6;
	v39, _, _ =	vpop (xrf2);
	v41 =	vsub.f32 v4, v63;
	v3 =	vadd.f32 v36, v3  }
0xec: {  	v14 =	vld [tilespmem:s13+$0xFFFFFD30];
	(xrf2) =	vadd.scan.msk.f32 $0xffff, v17;
	v12 =	vadd.f32 v35, v12;
	v40 =	vperm.xlane v39, v0;
	v42, _, _ =	vpop (xrf2);
	v2 =	vadd.f32 v38, v2  }
0xed: {  	[tilespmem:s13+$0xFFFFFCF0] =	vst v5;
	v5 =	vadd.f32 v41, v43;
	v44 =	vperm.xlane v42, v0;
	v45, _, _ =	vpop (xrf2);
	v6 =	vsub.f32 v3, v34  }
0xee: {  	v19 =	vld [tilespmem:s13+$0xFFFFFDB0];
	(xrf2) =	vadd.scan.msk.f32 $0xffff, v29;
	v1 =	vadd.f32 v40, v1;
	v46 =	vperm.xlane v45, v0;
	v43 =	vsub.f32 v2, v37  }
0xef: {  	v30 =	vld [tilespmem:s13+$0xFFFFFC20];
	[tilespmem:s13+$0xFFFFFE00] =	vst v11;
	(xrf2) =	vadd.scan.msk.f32 $0xffff, v24;
	v4 =	vadd.f32 v44, v4;
	v6 =	vadd.f32 v6, v22  }
0xf0: {  	[tilespmem:s13+$0xFFFFFDF0] =	vst v12;
	v18 =	vsub.f32 v1, v39;
	v47, _, _ =	vpop (xrf2);
	v3 =	vadd.f32 v46, v3  }
0xf1: {  	(xrf2) =	vadd.scan.msk.f32 $0xffff, v14;
	v22 =	vld [tilespmem:s13+$0xFFFFFCA0];
	v11 =	vadd.f32 v43, v13;
	v48 =	vperm.xlane v47, v0;
	v49, _, _ =	vpop (xrf2);
	v51 =	vsub.f32 v4, v42  }
0xf2: {  	[tilespmem:s13+$0xFFFFFC60] =	vst v5;
	v13 =	vld [tilespmem:s13+$0xFFFFFD20];
	v8 =	vadd.f32 v18, v8;
	v50 =	vperm.xlane v49, v0;
	v52 =	vsub.f32 v3, v45;
	v53, _, _ =	vpop (xrf2)  }
0xf3: {  	(xrf2) =	vadd.scan.msk.f32 $0xffff, v19;
	v2 =	vadd.f32 v48, v2;
	v5 =	vadd.f32 v51, v25;
	v55 =	vperm.xlane v53, v0;
	v56, _, _ =	vpop (xrf2)  }
0xf4: {  	v18 =	vld [tilespmem:s13+$0xFFFFFDA0];
	(xrf2) =	vadd.scan.msk.f32 $0xffff, v30;
	v1 =	vadd.f32 v50, v1;
	v12 =	vadd.f32 v52, v26;
	v57 =	vperm.xlane v56, v0  }
0xf5: {  	[tilespmem:s13+$0xFFFFFCE0] =	vst v6;
	v58, _, _ =	vpop (xrf2);
	v54 =	vsub.f32 v2, v47;
	v4 =	vadd.f32 v55, v4  }
0xf6: {  	v59 =	vperm.xlane v58, v0;
	v60, _, _ =	vpop (xrf2);
	(xrf2) =	vadd.scan.msk.f32 $0xffff, v22;
	v20 =	vsub.f32 v1, v49;
	v3 =	vadd.f32 v57, v3  }
0xf7: {  	v31 =	vld [tilespmem:s13+$0xFFFFFC10];
	v61 =	vperm.xlane v60, v0;
	(xrf2) =	vadd.scan.msk.f32 $0xffff, v13;
	v7 =	vadd.f32 v54, v7;
	v6 =	vsub.f32 v4, v53  }
0xf8: {  	[tilespmem:s13+$0xFFFFFD70] =	vst v9;
	v26 =	vld [tilespmem:s13+$0xFFFFFC90];
	v63, _, _ =	vpop (xrf2);
	v2 =	vadd.f32 v59, v2;
	v16 =	vadd.f32 v20, v16  }
0xf9: {  	v9 =	vld [tilespmem:s13+$0xFFFFFD10];
	(xrf2) =	vadd.scan.msk.f32 $0xffff, v18;
	v33 =	vperm.xlane v63, v0;
	v34, _, _ =	vpop (xrf2);
	v62 =	vsub.f32 v3, v56;
	v1 =	vadd.f32 v61, v1  }
0xfa: {  	[tilespmem:s13+$0xFFFFFD60] =	vst v11;
	v20 =	vld [tilespmem:s13+$0xFFFFFD90];
	v36 =	vperm.xlane v34, v0;
	v6 =	vadd.f32 v6, v28;
	v32 =	vsub.f32 v2, v58  }
0xfb: {  	[tilespmem:s13+$0xFFFFFDE0] =	vst v8;
	v4 =	vadd.f32 v33, v4;
	v11 =	vadd.f32 v62, v21;
	v37, _, _ =	vpop (xrf2)  }
0xfc: {  	(xrf2) =	vadd.scan.msk.f32 $0xffff, v31;
	v35 =	vsub.f32 v1, v60;
	v3 =	vadd.f32 v36, v3;
	v38 =	vperm.xlane v37, v0  }
0xfd: {  	[tilespmem:s13+$0xFFFFFC50] =	vst v5;
	(xrf2) =	vadd.scan.msk.f32 $0xffff, v26;
	v8 =	vadd.f32 v32, v10;
	v39, _, _ =	vpop (xrf2);
	v5 =	vsub.f32 v4, v63  }
0xfe: {  	(xrf2) =	vadd.scan.msk.f32 $0xffff, v9;
	v17 =	vadd.f32 v35, v17;
	v41, _, _ =	vpop (xrf2);
	v2 =	vadd.f32 v38, v2  }
0xff: {  	v40 =	vperm.xlane v39, v0;
	v42 =	vsub.f32 v3, v34;
	(xrf2) =	vadd.scan.msk.f32 $0xffff, v20;
	v44 =	vperm.xlane v41, v0  }
0x100: {  	[tilespmem:s13+$0xFFFFFD50] =	vst v7;
	v5 =	vadd.f32 v5, v29;
	v43, _, _ =	vpop (xrf2);
	v7 =	vsub.f32 v2, v37  }
0x101: {  	[tilespmem:s13+$0xFFFFFCD0] =	vst v12;
	v1 =	vadd.f32 v40, v1;
	v4 =	vadd.f32 v44, v4;
	v45, _, _ =	vpop (xrf2)  }
0x102: {  	[tilespmem:s13+$0xFFFFFC40] =	vst v6;
	v47 =	vperm.xlane v43, v0;
	v6 =	vadd.f32 v7, v14;
	v7 =	vperm.xlane v45, v0  }
0x103: {  	[tilespmem:s13+$0xFFFFFDD0] =	vst v16;
	v12 =	vadd.f32 v42, v24;
	v46 =	vsub.f32 v1, v39;
	v48, _, _ =	vpop (xrf2)  }
0x104: {  	[tilespmem:s13+$0xFFFFFCC0] =	vst v11;
	v51 =	vsub.f32 v4, v41;
	v3 =	vadd.f32 v47, v3;
	v50 =	vperm.xlane v48, v0  }
0x105: {  	[tilespmem:s13+$0xFFFFFD40] =	vst v8;
	v49 =	vadd.f32 v46, v19;
	v2 =	vadd.f32 v7, v2  }
0x106: {  	[tilespmem:s13+$0xFFFFFDC0] =	vst v17;
	v52 =	vsub.f32 v3, v43;
	v1 =	vadd.f32 v50, v1;
	v7, _, _ =	vpop (xrf2)  }
0x107: {  	[tilespmem:s13+$0xFFFFFC30] =	vst v5;
	v5 =	vadd.f32 v51, v30;
	v54 =	vsub.f32 v2, v45;
	v53, _, _ =	vpop (xrf2);
	v55 =	vperm.xlane v7, v0  }
0x108: {  	[tilespmem:s13+$0xFFFFFCB0] =	vst v12;
	v10 =	vadd.f32 v52, v22;
	v57 =	vsub.f32 v1, v48;
	v56, _, _ =	vpop (xrf2);
	v58 =	vperm.xlane v53, v0  }
0x109: {  	[tilespmem:s13+$0xFFFFFD30] =	vst v6;
	v6 =	vadd.f32 v54, v13;
	v4 =	vadd.f32 v55, v4;
	v59 =	vperm.xlane v56, v0;
	v60, _, _ =	vpop (xrf2)  }
0x10a: {  	[tilespmem:s13+$0xFFFFFDB0] =	vst v49;
	v61 =	vadd.f32 v57, v18;
	v3 =	vadd.f32 v58, v3;
	v62 =	vperm.xlane v60, v0  }
0x10b: {  	[tilespmem:s13+$0xFFFFFC20] =	vst v5;
	v2 =	vadd.f32 v59, v2;
	v5 =	vsub.f32 v4, v7  }
0x10c: {  	s7 =	sadd.s32 $0x10, s7;
	[tilespmem:s13+$0xFFFFFCA0] =	vst v10;
	v1 =	vadd.f32 v62, v1;
	v7 =	vsub.f32 v3, v53  }
0x10d: {  	p0 =	slt.u32 s7, $0xF0;
	[tilespmem:s13+$0xFFFFFD20] =	vst v6;
	v5 =	vadd.f32 v5, v31;
	v6 =	vsub.f32 v2, v56  }
.Ltmp1:
0x10e: {  	[tilespmem:s13+$0xFFFFFDA0] =	vst v61;
	v7 =	vadd.f32 v7, v26;
	v63 =	vsub.f32 v1, v60;
	(pc) =	sbr.rel @p0 .LBB2_5-.Ltmp1, $4  }
0x10f: {  	[tilespmem:s13+$0xFFFFFC10] =	vst v5;
	v5 =	vadd.f32 v6, v9  }
0x110: {  	[tilespmem:s13+$0xFFFFFC90] =	vst v7;
	v6 =	vadd.f32 v63, v20  }
0x111: {  	[tilespmem:s13+$0xFFFFFD10] =	vst v5  }
0x112: {  	[tilespmem:s13+$0xFFFFFD90] =	vst v6;
	s13 =	sadd.s32 $0xFFFFFC00, s13  }
0x113: {  	s2 =	sadd.s32 s2, s10;
	p0 =	seq.s32 s29, $0x1F  }
0x114: {  	[hbm4b:s2+s14] =	stream.strided.scatter [tilespmem:s16], [sflag:$0x6], $0x4000, s15, s14, $0x38;
	[tilespmem:$0x10000] =	vst v63  }
0x115: {  	s2 =	simm.s32 @!p0 $0x5  }
0x116: {  	_ =	swait.ge @!p0 [sflag:s2], $0x4000  }
0x117: {  	s7 =	simm.s32 @!p0 $0x200;
	s13 =	simm.s32 @!p0 $0x400;
	[sflag:s2] =	ssyncset.done @!p0 $0x0  }
0x118: {  	s6 =	simm.s32 @!p0 $0x0;
	[sflag:s2] =	ssyncadd.s32 @!p0 $0xFFFFC000;
	s2 =	sadd.s32 @!p0 s30, s11  }
0x119: {  	[tilespmem:s6], [sflag:$0x1] =	stream.strided.gather @!p0 [hbm4b:s2+s7], $0x4000, s13, s7, $0x38;
	[tilespmem:$0x10000] =	vst v63  }
0x11a: {  	_ =	swait.ge [sflag:s21], $0x4000  }
0x11b: {  	v1 =	vimm.f32 $0.0e+00;
	[sflag:s21] =	ssyncset.done $0x0  }
0x11c: {  	v2 =	vimm.f32 $0.0e+00;
	v3 =	vimm.f32 $0.0e+00;
	v4 =	vimm.f32 $0.0e+00;
	s2 =	simm.s32 $0xFFFFFFF0;
	s7 =	simm.s32 $0xBFF0;
	[sflag:s21] =	ssyncadd.s32 $0xFFFFC000  }
.LBB2_7:
0x11d: {  	v5 =	vld [tilespmem:s7+$0xFFFFFE80]  }
0x11e: {  	v6 =	vld [tilespmem:s7+$0xFFFFFF00]  }
0x11f: {  	v7 =	vld [tilespmem:s7+$0xFFFFFF80];
	_ =	sdelay $0x2  }
0x120: {  	v8 =	vld [tilespmem:s7+$0x0];
	(xrf2) =	vadd.scan.msk.f32 $0xffff, v5  }
0x121: {  	v9 =	vld [tilespmem:s7+$0xFFFFFE70];
	(xrf2) =	vadd.scan.msk.f32 $0xffff, v6  }
0x122: {  	v10 =	vld [tilespmem:s7+$0xFFFFFEF0];
	(xrf2) =	vadd.scan.msk.f32 $0xffff, v7;
	_ =	sdelay $0x2  }
0x123: {  	v11 =	vld [tilespmem:s7+$0xFFFFFF70];
	(xrf2) =	vadd.scan.msk.f32 $0xffff, v8  }
0x124: {  	v12 =	vld [tilespmem:s7+$0xFFFFFFF0];
	(xrf2) =	vadd.scan.msk.f32 $0xffff, v9  }
0x125: {  	v13 =	vld [tilespmem:s7+$0xFFFFFE60];
	(xrf2) =	vadd.scan.msk.f32 $0xffff, v10  }
0x126: {  	v14 =	vld [tilespmem:s7+$0xFFFFFEE0];
	_ =	sdelay $0x1  }
0x127: {  	v15, _, _ =	vpop (xrf2);
	(xrf2) =	vadd.scan.msk.f32 $0xffff, v11  }
0x128: {  	v18 =	vld [tilespmem:s7+$0xFFFFFF60];
	v16 =	vperm.xlane v15, v0;
	v17, _, _ =	vpop (xrf2);
	(xrf2) =	vadd.scan.msk.f32 $0xffff, v12  }
0x129: {  	v21 =	vld [tilespmem:s7+$0xFFFFFFE0];
	v19 =	vperm.xlane v17, v0;
	v20, _, _ =	vpop (xrf2);
	(xrf2) =	vadd.scan.msk.f32 $0xffff, v13  }
0x12a: {  	v22 =	vld [tilespmem:s7+$0xFFFFFE50];
	v4 =	vadd.f32 v16, v4;
	v39 =	vperm.xlane v20, v0;
	(xrf2) =	vadd.scan.msk.f32 $0xffff, v14  }
0x12b: {  	v3 =	vadd.f32 v19, v3  }
0x12c: {  	v40, _, _ =	vpop (xrf2);
	v15 =	vsub.f32 v4, v15;
	v2 =	vadd.f32 v39, v2  }
0x12d: {  	v24 =	vld [tilespmem:s7+$0xFFFFFED0];
	v41 =	vperm.xlane v40, v0;
	v23, _, _ =	vpop (xrf2);
	(xrf2) =	vadd.scan.msk.f32 $0xffff, v18;
	v17 =	vsub.f32 v3, v17  }
0x12e: {  	v26 =	vld [tilespmem:s7+$0xFFFFFF50];
	v43 =	vperm.xlane v23, v0;
	v25, _, _ =	vpop (xrf2);
	(xrf2) =	vadd.scan.msk.f32 $0xffff, v21;
	v5 =	vadd.f32 v15, v5;
	v42 =	vsub.f32 v2, v20  }
0x12f: {  	v45 =	vld [tilespmem:s7+$0xFFFFFFD0];
	v1 =	vadd.f32 v41, v1;
	v44 =	vperm.xlane v25, v0;
	(xrf2) =	vadd.scan.msk.f32 $0xffff, v22;
	v6 =	vadd.f32 v17, v6  }
0x130: {  	v4 =	vadd.f32 v43, v4;
	[tilespmem:s7+$0xFFFFFE80] =	vst v5;
	v5 =	vadd.f32 v42, v7  }
0x131: {  	v3 =	vadd.f32 v44, v3;
	[tilespmem:s7+$0xFFFFFF00] =	vst v6;
	v6 =	vsub.f32 v1, v40;
	v7, _, _ =	vpop (xrf2)  }
0x132: {  	v48 =	vld [tilespmem:s7+$0xFFFFFE40];
	[tilespmem:s7+$0xFFFFFF80] =	vst v5;
	v5 =	vsub.f32 v4, v23;
	v46 =	vperm.xlane v7, v0;
	v47, _, _ =	vpop (xrf2);
	(xrf2) =	vadd.scan.msk.f32 $0xffff, v24  }
0x133: {  	v52 =	vld [tilespmem:s7+$0xFFFFFEC0];
	v49 =	vsub.f32 v3, v25;
	v6 =	vadd.f32 v6, v8;
	v50 =	vperm.xlane v47, v0;
	v51, _, _ =	vpop (xrf2);
	(xrf2) =	vadd.scan.msk.f32 $0xffff, v26  }
0x134: {  	v27 =	vld [tilespmem:s7+$0xFFFFFF40];
	v5 =	vadd.f32 v5, v9;
	v2 =	vadd.f32 v46, v2;
	v53 =	vperm.xlane v51, v0;
	v54, _, _ =	vpop (xrf2);
	(xrf2) =	vadd.scan.msk.f32 $0xffff, v45  }
0x135: {  	[tilespmem:s7+$0x0] =	vst v6;
	v6 =	vadd.f32 v49, v10;
	v1 =	vadd.f32 v50, v1;
	v55 =	vperm.xlane v54, v0  }
0x136: {  	[tilespmem:s7+$0xFFFFFE70] =	vst v5;
	v5 =	vsub.f32 v2, v7;
	v4 =	vadd.f32 v53, v4  }
0x137: {  	v56 =	vld [tilespmem:s7+$0xFFFFFFC0];
	(xrf2) =	vadd.scan.msk.f32 $0xffff, v48;
	v7, _, _ =	vpop (xrf2);
	[tilespmem:s7+$0xFFFFFEF0] =	vst v6;
	v6 =	vsub.f32 v1, v47;
	v3 =	vadd.f32 v55, v3  }
0x138: {  	v59 =	vld [tilespmem:s7+$0xFFFFFE30];
	(xrf2) =	vadd.scan.msk.f32 $0xffff, v52;
	v57 =	vperm.xlane v7, v0;
	v58, _, _ =	vpop (xrf2);
	v5 =	vadd.f32 v5, v11;
	v9 =	vsub.f32 v4, v51  }
0x139: {  	v63 =	vld [tilespmem:s7+$0xFFFFFEB0];
	v61 =	vperm.xlane v58, v0;
	v62, _, _ =	vpop (xrf2);
	(xrf2) =	vadd.scan.msk.f32 $0xffff, v27;
	v6 =	vadd.f32 v6, v12;
	v60 =	vsub.f32 v3, v54  }
0x13a: {  	v30 =	vld [tilespmem:s7+$0xFFFFFF30];
	v2 =	vadd.f32 v57, v2;
	v29 =	vperm.xlane v62, v0;
	[tilespmem:s7+$0xFFFFFF70] =	vst v5;
	v5 =	vadd.f32 v9, v13  }
0x13b: {  	v1 =	vadd.f32 v61, v1;
	[tilespmem:s7+$0xFFFFFFF0] =	vst v6;
	v6 =	vadd.f32 v60, v14  }
0x13c: {  	(xrf2) =	vadd.scan.msk.f32 $0xffff, v56;
	v4 =	vadd.f32 v29, v4;
	[tilespmem:s7+$0xFFFFFE60] =	vst v5;
	v5 =	vsub.f32 v2, v7;
	v7, _, _ =	vpop (xrf2)  }
0x13d: {  	v33 =	vld [tilespmem:s7+$0xFFFFFFB0];
	(xrf2) =	vadd.scan.msk.f32 $0xffff, v59;
	[tilespmem:s7+$0xFFFFFEE0] =	vst v6;
	v6 =	vsub.f32 v1, v58;
	v31 =	vperm.xlane v7, v0;
	v32, _, _ =	vpop (xrf2)  }
0x13e: {  	v34 =	vsub.f32 v4, v62;
	(xrf2) =	vadd.scan.msk.f32 $0xffff, v63;
	v5 =	vadd.f32 v5, v18;
	v35 =	vperm.xlane v32, v0;
	v36, _, _ =	vpop (xrf2);
	v18 =	vld [tilespmem:s7+$0xFFFFFE20]  }
0x13f: {  	v20 =	vld [tilespmem:s7+$0xFFFFFEA0];
	(xrf2) =	vadd.scan.msk.f32 $0xffff, v30;
	v6 =	vadd.f32 v6, v21;
	v3 =	vadd.f32 v31, v3;
	v37 =	vperm.xlane v36, v0  }
0x140: {  	[tilespmem:s7+$0xFFFFFF60] =	vst v5;
	v5 =	vadd.f32 v34, v22;
	v2 =	vadd.f32 v35, v2  }
0x141: {  	[tilespmem:s7+$0xFFFFFFE0] =	vst v6;
	v6 =	vsub.f32 v3, v7;
	v1 =	vadd.f32 v37, v1;
	v7, _, _ =	vpop (xrf2)  }
0x142: {  	v40 =	vld [tilespmem:s7+$0xFFFFFF20];
	[tilespmem:s7+$0xFFFFFE50] =	vst v5;
	v5 =	vsub.f32 v2, v32;
	v38 =	vperm.xlane v7, v0;
	v39, _, _ =	vpop (xrf2);
	(xrf2) =	vadd.scan.msk.f32 $0xffff, v33  }
0x143: {  	v22 =	vld [tilespmem:s7+$0xFFFFFFA0];
	v6 =	vadd.f32 v6, v24;
	v41 =	vsub.f32 v1, v36;
	v42 =	vperm.xlane v39, v0;
	v43, _, _ =	vpop (xrf2);
	(xrf2) =	vadd.scan.msk.f32 $0xffff, v18  }
0x144: {  	v24 =	vld [tilespmem:s7+$0xFFFFFE10];
	v5 =	vadd.f32 v5, v26;
	v4 =	vadd.f32 v38, v4;
	v44 =	vperm.xlane v43, v0;
	(xrf2) =	vadd.scan.msk.f32 $0xffff, v20  }
0x145: {  	[tilespmem:s7+$0xFFFFFED0] =	vst v6;
	v6 =	vadd.f32 v41, v45;
	v3 =	vadd.f32 v42, v3  }
0x146: {  	[tilespmem:s7+$0xFFFFFF50] =	vst v5;
	v5 =	vsub.f32 v4, v7;
	v2 =	vadd.f32 v44, v2;
	v7, _, _ =	vpop (xrf2)  }
0x147: {  	v14 =	vld [tilespmem:s7+$0xFFFFFE90];
	[tilespmem:s7+$0xFFFFFFD0] =	vst v6;
	v6 =	vsub.f32 v3, v39;
	v45 =	vperm.xlane v7, v0;
	v46, _, _ =	vpop (xrf2);
	(xrf2) =	vadd.scan.msk.f32 $0xffff, v40  }
0x148: {  	v21 =	vld [tilespmem:s7+$0xFFFFFF10];
	v5 =	vadd.f32 v5, v48;
	v47 =	vsub.f32 v2, v43;
	v48 =	vperm.xlane v46, v0;
	v49, _, _ =	vpop (xrf2);
	(xrf2) =	vadd.scan.msk.f32 $0xffff, v22  }
0x149: {  	v6 =	vadd.f32 v6, v52;
	v1 =	vadd.f32 v45, v1;
	v50 =	vperm.xlane v49, v0;
	v51, _, _ =	vpop (xrf2);
	(xrf2) =	vadd.scan.msk.f32 $0xffff, v24;
	v52 =	vld [tilespmem:s7+$0xFFFFFF90]  }
0x14a: {  	[tilespmem:s7+$0xFFFFFE40] =	vst v5;
	v5 =	vadd.f32 v47, v27;
	v4 =	vadd.f32 v48, v4;
	v53 =	vperm.xlane v51, v0  }
0x14b: {  	[tilespmem:s7+$0xFFFFFEC0] =	vst v6;
	v6 =	vsub.f32 v1, v7;
	v3 =	vadd.f32 v50, v3  }
0x14c: {  	v9 =	vld [tilespmem:s7+$0xFFFFFC80];
	(xrf2) =	vadd.scan.msk.f32 $0xffff, v14;
	[tilespmem:s7+$0xFFFFFF40] =	vst v5;
	v5 =	vsub.f32 v4, v46;
	v2 =	vadd.f32 v53, v2;
	v7, _, _ =	vpop (xrf2)  }
0x14d: {  	v57 =	vld [tilespmem:s7+$0xFFFFFD00];
	(xrf2) =	vadd.scan.msk.f32 $0xffff, v21;
	v6 =	vadd.f32 v6, v56;
	v54 =	vsub.f32 v3, v49;
	v55 =	vperm.xlane v7, v0;
	v56, _, _ =	vpop (xrf2)  }
0x14e: {  	v61 =	vld [tilespmem:s7+$0xFFFFFD80];
	v5 =	vadd.f32 v5, v59;
	v58 =	vsub.f32 v2, v51;
	v59 =	vperm.xlane v56, v0;
	v60, _, _ =	vpop (xrf2);
	(xrf2) =	vadd.scan.msk.f32 $0xffff, v52  }
0x14f: {  	[tilespmem:s7+$0xFFFFFFC0] =	vst v6;
	v6 =	vadd.f32 v54, v63;
	v1 =	vadd.f32 v55, v1;
	v62 =	vperm.xlane v60, v0;
	v63 =	vld [tilespmem:s7+$0xFFFFFE00]  }
0x150: {  	[tilespmem:s7+$0xFFFFFE30] =	vst v5;
	v5 =	vadd.f32 v58, v30;
	v4 =	vadd.f32 v59, v4  }
0x151: {  	(xrf2) =	vadd.scan.msk.f32 $0xffff, v9;
	[tilespmem:s7+$0xFFFFFEB0] =	vst v6;
	v6 =	vsub.f32 v1, v7;
	v3 =	vadd.f32 v62, v3;
	v7, _, _ =	vpop (xrf2)  }
0x152: {  	v32 =	vld [tilespmem:s7+$0xFFFFFC70];
	(xrf2) =	vadd.scan.msk.f32 $0xffff, v57;
	[tilespmem:s7+$0xFFFFFF30] =	vst v5;
	v5 =	vsub.f32 v4, v56;
	v30 =	vperm.xlane v7, v0;
	v31, _, _ =	vpop (xrf2)  }
0x153: {  	v36 =	vld [tilespmem:s7+$0xFFFFFCF0];
	(xrf2) =	vadd.scan.msk.f32 $0xffff, v61;
	v6 =	vadd.f32 v6, v33;
	v33 =	vsub.f32 v3, v60;
	v34 =	vperm.xlane v31, v0;
	v35, _, _ =	vpop (xrf2)  }
0x154: {  	v5 =	vadd.f32 v5, v18;
	v2 =	vadd.f32 v30, v2;
	v37 =	vperm.xlane v35, v0;
	(xrf2) =	vadd.scan.msk.f32 $0xffff, v63;
	v18 =	vld [tilespmem:s7+$0xFFFFFD70]  }
0x155: {  	v12 =	vld [tilespmem:s7+$0xFFFFFDF0];
	[tilespmem:s7+$0xFFFFFFB0] =	vst v6;
	v6 =	vadd.f32 v33, v20;
	v1 =	vadd.f32 v34, v1  }
0x156: {  	[tilespmem:s7+$0xFFFFFE20] =	vst v5;
	v5 =	vsub.f32 v2, v7;
	v4 =	vadd.f32 v37, v4;
	v7, _, _ =	vpop (xrf2)  }
0x157: {  	v43 =	vld [tilespmem:s7+$0xFFFFFC60];
	(xrf2) =	vadd.scan.msk.f32 $0xffff, v32;
	[tilespmem:s7+$0xFFFFFEA0] =	vst v6;
	v6 =	vsub.f32 v1, v31;
	v38 =	vperm.xlane v7, v0;
	v39, _, _ =	vpop (xrf2)  }
0x158: {  	(xrf2) =	vadd.scan.msk.f32 $0xffff, v36;
	v5 =	vadd.f32 v5, v40;
	v40 =	vsub.f32 v4, v35;
	v41 =	vperm.xlane v39, v0;
	v42, _, _ =	vpop (xrf2)  }
0x159: {  	v6 =	vadd.f32 v6, v22;
	v3 =	vadd.f32 v38, v3;
	v44 =	vperm.xlane v42, v0;
	(xrf2) =	vadd.scan.msk.f32 $0xffff, v18;
	v22 =	vld [tilespmem:s7+$0xFFFFFCE0]  }
0x15a: {  	v13 =	vld [tilespmem:s7+$0xFFFFFD60];
	[tilespmem:s7+$0xFFFFFF20] =	vst v5;
	v5 =	vadd.f32 v40, v24;
	v2 =	vadd.f32 v41, v2;
	(xrf2) =	vadd.scan.msk.f32 $0xffff, v12  }
0x15b: {  	[tilespmem:s7+$0xFFFFFFA0] =	vst v6;
	v6 =	vsub.f32 v3, v7;
	v1 =	vadd.f32 v44, v1;
	v7, _, _ =	vpop (xrf2)  }
0x15c: {  	v8 =	vld [tilespmem:s7+$0xFFFFFDE0];
	(xrf2) =	vadd.scan.msk.f32 $0xffff, v43;
	[tilespmem:s7+$0xFFFFFE10] =	vst v5;
	v5 =	vsub.f32 v2, v39;
	v45 =	vperm.xlane v7, v0;
	v46, _, _ =	vpop (xrf2)  }
0x15d: {  	v25 =	vld [tilespmem:s7+$0xFFFFFC50];
	v6 =	vadd.f32 v6, v14;
	v47 =	vsub.f32 v1, v42;
	v48 =	vperm.xlane v46, v0;
	v49, _, _ =	vpop (xrf2)  }
0x15e: {  	v26 =	vld [tilespmem:s7+$0xFFFFFCD0];
	v5 =	vadd.f32 v5, v21;
	v4 =	vadd.f32 v45, v4;
	v50 =	vperm.xlane v49, v0;
	v51, _, _ =	vpop (xrf2);
	(xrf2) =	vadd.scan.msk.f32 $0xffff, v22  }
0x15f: {  	v14 =	vadd.f32 v47, v52;
	v3 =	vadd.f32 v48, v3;
	v52 =	vperm.xlane v51, v0;
	(xrf2) =	vadd.scan.msk.f32 $0xffff, v13  }
0x160: {  	[tilespmem:s7+$0xFFFFFE90] =	vst v6;
	v6 =	vsub.f32 v4, v7;
	v2 =	vadd.f32 v50, v2  }
0x161: {  	(xrf2) =	vadd.scan.msk.f32 $0xffff, v8;
	v7 =	vld [tilespmem:s7+$0xFFFFFD50];
	[tilespmem:s7+$0xFFFFFF10] =	vst v5;
	v53, _, _ =	vpop (xrf2);
	v5 =	vsub.f32 v3, v46;
	v1 =	vadd.f32 v52, v1  }
0x162: {  	v16 =	vld [tilespmem:s7+$0xFFFFFDD0];
	v55 =	vperm.xlane v53, v0;
	v56, _, _ =	vpop (xrf2);
	(xrf2) =	vadd.scan.msk.f32 $0xffff, v25;
	v6 =	vadd.f32 v6, v9;
	v54 =	vsub.f32 v2, v49  }
0x163: {  	v28 =	vld [tilespmem:s7+$0xFFFFFC40];
	v58 =	vperm.xlane v56, v0;
	(xrf2) =	vadd.scan.msk.f32 $0xffff, v26;
	v5 =	vadd.f32 v5, v57;
	v57 =	vsub.f32 v1, v51;
	v59, _, _ =	vpop (xrf2)  }
0x164: {  	v21 =	vld [tilespmem:s7+$0xFFFFFCC0];
	v4 =	vadd.f32 v55, v4;
	v9 =	vadd.f32 v54, v61;
	v60 =	vperm.xlane v59, v0;
	v61, _, _ =	vpop (xrf2)  }
0x165: {  	v3 =	vadd.f32 v58, v3;
	[tilespmem:s7+$0xFFFFFC80] =	vst v6;
	v11 =	vadd.f32 v57, v63;
	v62 =	vperm.xlane v61, v0  }
0x166: {  	v10 =	vld [tilespmem:s7+$0xFFFFFD40];
	(xrf2) =	vadd.scan.msk.f32 $0xffff, v7;
	v6 =	vsub.f32 v4, v53;
	[tilespmem:s7+$0xFFFFFD00] =	vst v5;
	v63, _, _ =	vpop (xrf2);
	v2 =	vadd.f32 v60, v2  }
0x167: {  	v17 =	vld [tilespmem:s7+$0xFFFFFDC0];
	(xrf2) =	vadd.scan.msk.f32 $0xffff, v16;
	v5 =	vsub.f32 v3, v56;
	v33 =	vperm.xlane v63, v0;
	v1 =	vadd.f32 v62, v1  }
0x168: {  	[tilespmem:s7+$0xFFFFFF90] =	vst v14;
	v6 =	vadd.f32 v6, v32;
	(xrf2) =	vadd.scan.msk.f32 $0xffff, v28;
	v32 =	vsub.f32 v2, v59;
	v34, _, _ =	vpop (xrf2)  }
0x169: {  	v29 =	vld [tilespmem:s7+$0xFFFFFC30];
	v5 =	vadd.f32 v5, v36;
	v4 =	vadd.f32 v33, v4;
	(xrf2) =	vadd.scan.msk.f32 $0xffff, v21;
	v36 =	vperm.xlane v34, v0;
	v37, _, _ =	vpop (xrf2)  }
0x16a: {  	v24 =	vld [tilespmem:s7+$0xFFFFFCB0];
	[tilespmem:s7+$0xFFFFFD80] =	vst v9;
	v35 =	vsub.f32 v1, v61;
	v9 =	vadd.f32 v32, v18;
	v38 =	vperm.xlane v37, v0  }
0x16b: {  	(xrf2) =	vadd.scan.msk.f32 $0xffff, v10;
	[tilespmem:s7+$0xFFFFFC70] =	vst v6;
	v39, _, _ =	vpop (xrf2);
	v41 =	vsub.f32 v4, v63;
	v3 =	vadd.f32 v36, v3  }
0x16c: {  	v14 =	vld [tilespmem:s7+$0xFFFFFD30];
	(xrf2) =	vadd.scan.msk.f32 $0xffff, v17;
	v12 =	vadd.f32 v35, v12;
	v40 =	vperm.xlane v39, v0;
	v42, _, _ =	vpop (xrf2);
	v2 =	vadd.f32 v38, v2  }
0x16d: {  	[tilespmem:s7+$0xFFFFFCF0] =	vst v5;
	v5 =	vadd.f32 v41, v43;
	v44 =	vperm.xlane v42, v0;
	v45, _, _ =	vpop (xrf2);
	v6 =	vsub.f32 v3, v34  }
0x16e: {  	v19 =	vld [tilespmem:s7+$0xFFFFFDB0];
	(xrf2) =	vadd.scan.msk.f32 $0xffff, v29;
	v1 =	vadd.f32 v40, v1;
	v46 =	vperm.xlane v45, v0;
	v43 =	vsub.f32 v2, v37  }
0x16f: {  	v30 =	vld [tilespmem:s7+$0xFFFFFC20];
	[tilespmem:s7+$0xFFFFFE00] =	vst v11;
	(xrf2) =	vadd.scan.msk.f32 $0xffff, v24;
	v4 =	vadd.f32 v44, v4;
	v6 =	vadd.f32 v6, v22  }
0x170: {  	[tilespmem:s7+$0xFFFFFDF0] =	vst v12;
	v18 =	vsub.f32 v1, v39;
	v47, _, _ =	vpop (xrf2);
	v3 =	vadd.f32 v46, v3  }
0x171: {  	(xrf2) =	vadd.scan.msk.f32 $0xffff, v14;
	v22 =	vld [tilespmem:s7+$0xFFFFFCA0];
	v11 =	vadd.f32 v43, v13;
	v48 =	vperm.xlane v47, v0;
	v49, _, _ =	vpop (xrf2);
	v51 =	vsub.f32 v4, v42  }
0x172: {  	[tilespmem:s7+$0xFFFFFC60] =	vst v5;
	v13 =	vld [tilespmem:s7+$0xFFFFFD20];
	v8 =	vadd.f32 v18, v8;
	v50 =	vperm.xlane v49, v0;
	v52 =	vsub.f32 v3, v45;
	v53, _, _ =	vpop (xrf2)  }
0x173: {  	(xrf2) =	vadd.scan.msk.f32 $0xffff, v19;
	v2 =	vadd.f32 v48, v2;
	v5 =	vadd.f32 v51, v25;
	v55 =	vperm.xlane v53, v0;
	v56, _, _ =	vpop (xrf2)  }
0x174: {  	v18 =	vld [tilespmem:s7+$0xFFFFFDA0];
	(xrf2) =	vadd.scan.msk.f32 $0xffff, v30;
	v1 =	vadd.f32 v50, v1;
	v12 =	vadd.f32 v52, v26;
	v57 =	vperm.xlane v56, v0  }
0x175: {  	[tilespmem:s7+$0xFFFFFCE0] =	vst v6;
	v58, _, _ =	vpop (xrf2);
	v54 =	vsub.f32 v2, v47;
	v4 =	vadd.f32 v55, v4  }
0x176: {  	v59 =	vperm.xlane v58, v0;
	v60, _, _ =	vpop (xrf2);
	(xrf2) =	vadd.scan.msk.f32 $0xffff, v22;
	v20 =	vsub.f32 v1, v49;
	v3 =	vadd.f32 v57, v3  }
0x177: {  	v31 =	vld [tilespmem:s7+$0xFFFFFC10];
	v61 =	vperm.xlane v60, v0;
	(xrf2) =	vadd.scan.msk.f32 $0xffff, v13;
	v7 =	vadd.f32 v54, v7;
	v6 =	vsub.f32 v4, v53  }
0x178: {  	[tilespmem:s7+$0xFFFFFD70] =	vst v9;
	v26 =	vld [tilespmem:s7+$0xFFFFFC90];
	v63, _, _ =	vpop (xrf2);
	v2 =	vadd.f32 v59, v2;
	v16 =	vadd.f32 v20, v16  }
0x179: {  	v9 =	vld [tilespmem:s7+$0xFFFFFD10];
	(xrf2) =	vadd.scan.msk.f32 $0xffff, v18;
	v33 =	vperm.xlane v63, v0;
	v34, _, _ =	vpop (xrf2);
	v62 =	vsub.f32 v3, v56;
	v1 =	vadd.f32 v61, v1  }
0x17a: {  	[tilespmem:s7+$0xFFFFFD60] =	vst v11;
	v20 =	vld [tilespmem:s7+$0xFFFFFD90];
	v36 =	vperm.xlane v34, v0;
	v6 =	vadd.f32 v6, v28;
	v32 =	vsub.f32 v2, v58  }
0x17b: {  	[tilespmem:s7+$0xFFFFFDE0] =	vst v8;
	v4 =	vadd.f32 v33, v4;
	v11 =	vadd.f32 v62, v21;
	v37, _, _ =	vpop (xrf2)  }
0x17c: {  	(xrf2) =	vadd.scan.msk.f32 $0xffff, v31;
	v35 =	vsub.f32 v1, v60;
	v3 =	vadd.f32 v36, v3;
	v38 =	vperm.xlane v37, v0  }
0x17d: {  	[tilespmem:s7+$0xFFFFFC50] =	vst v5;
	(xrf2) =	vadd.scan.msk.f32 $0xffff, v26;
	v8 =	vadd.f32 v32, v10;
	v39, _, _ =	vpop (xrf2);
	v5 =	vsub.f32 v4, v63  }
0x17e: {  	(xrf2) =	vadd.scan.msk.f32 $0xffff, v9;
	v17 =	vadd.f32 v35, v17;
	v41, _, _ =	vpop (xrf2);
	v2 =	vadd.f32 v38, v2  }
0x17f: {  	v40 =	vperm.xlane v39, v0;
	v42 =	vsub.f32 v3, v34;
	(xrf2) =	vadd.scan.msk.f32 $0xffff, v20;
	v44 =	vperm.xlane v41, v0  }
0x180: {  	[tilespmem:s7+$0xFFFFFD50] =	vst v7;
	v5 =	vadd.f32 v5, v29;
	v43, _, _ =	vpop (xrf2);
	v7 =	vsub.f32 v2, v37  }
0x181: {  	[tilespmem:s7+$0xFFFFFCD0] =	vst v12;
	v1 =	vadd.f32 v40, v1;
	v4 =	vadd.f32 v44, v4;
	v45, _, _ =	vpop (xrf2)  }
0x182: {  	[tilespmem:s7+$0xFFFFFC40] =	vst v6;
	v47 =	vperm.xlane v43, v0;
	v6 =	vadd.f32 v7, v14;
	v7 =	vperm.xlane v45, v0  }
0x183: {  	[tilespmem:s7+$0xFFFFFDD0] =	vst v16;
	v12 =	vadd.f32 v42, v24;
	v46 =	vsub.f32 v1, v39;
	v48, _, _ =	vpop (xrf2)  }
0x184: {  	[tilespmem:s7+$0xFFFFFCC0] =	vst v11;
	v51 =	vsub.f32 v4, v41;
	v3 =	vadd.f32 v47, v3;
	v50 =	vperm.xlane v48, v0  }
0x185: {  	[tilespmem:s7+$0xFFFFFD40] =	vst v8;
	v49 =	vadd.f32 v46, v19;
	v2 =	vadd.f32 v7, v2  }
0x186: {  	[tilespmem:s7+$0xFFFFFDC0] =	vst v17;
	v52 =	vsub.f32 v3, v43;
	v1 =	vadd.f32 v50, v1;
	v7, _, _ =	vpop (xrf2)  }
0x187: {  	[tilespmem:s7+$0xFFFFFC30] =	vst v5;
	v5 =	vadd.f32 v51, v30;
	v54 =	vsub.f32 v2, v45;
	v53, _, _ =	vpop (xrf2);
	v55 =	vperm.xlane v7, v0  }
0x188: {  	[tilespmem:s7+$0xFFFFFCB0] =	vst v12;
	v10 =	vadd.f32 v52, v22;
	v57 =	vsub.f32 v1, v48;
	v56, _, _ =	vpop (xrf2);
	v58 =	vperm.xlane v53, v0  }
0x189: {  	[tilespmem:s7+$0xFFFFFD30] =	vst v6;
	v6 =	vadd.f32 v54, v13;
	v4 =	vadd.f32 v55, v4;
	v59 =	vperm.xlane v56, v0;
	v60, _, _ =	vpop (xrf2)  }
0x18a: {  	[tilespmem:s7+$0xFFFFFDB0] =	vst v49;
	v61 =	vadd.f32 v57, v18;
	v3 =	vadd.f32 v58, v3;
	v62 =	vperm.xlane v60, v0  }
0x18b: {  	[tilespmem:s7+$0xFFFFFC20] =	vst v5;
	v2 =	vadd.f32 v59, v2;
	v5 =	vsub.f32 v4, v7  }
0x18c: {  	s2 =	sadd.s32 $0x10, s2;
	[tilespmem:s7+$0xFFFFFCA0] =	vst v10;
	v1 =	vadd.f32 v62, v1;
	v7 =	vsub.f32 v3, v53  }
0x18d: {  	p1 =	slt.u32 s2, $0xF0;
	[tilespmem:s7+$0xFFFFFD20] =	vst v6;
	v5 =	vadd.f32 v5, v31;
	v6 =	vsub.f32 v2, v56  }
.Ltmp2:
0x18e: {  	[tilespmem:s7+$0xFFFFFDA0] =	vst v61;
	v7 =	vadd.f32 v7, v26;
	v63 =	vsub.f32 v1, v60;
	(pc) =	sbr.rel @p1 .LBB2_7-.Ltmp2, $4  }
0x18f: {  	[tilespmem:s7+$0xFFFFFC10] =	vst v5;
	v5 =	vadd.f32 v6, v9  }
0x190: {  	[tilespmem:s7+$0xFFFFFC90] =	vst v7;
	v6 =	vadd.f32 v63, v20  }
0x191: {  	[tilespmem:s7+$0xFFFFFD10] =	vst v5  }
0x192: {  	[tilespmem:s7+$0xFFFFFD90] =	vst v6;
	s7 =	sadd.s32 $0xFFFFFC00, s7  }
0x193: {  	s0 =	sadd.s32 s3, s0  }
0x194: {  	[hbm4b:s0+s14] =	stream.strided.scatter [tilespmem:s17], [sflag:$0x7], $0x4000, s15, s14, $0x38;
	[tilespmem:$0x10000] =	vst v63  }
0x195: {  	s0 =	simm.s32 @!p0 $0x6  }
0x196: {  	_ =	swait.ge @!p0 [sflag:s0], $0x4000  }
0x197: {  	s2 =	simm.s32 @!p0 $0x200;
	s6 =	simm.s32 @!p0 $0x400;
	[sflag:s0] =	ssyncset.done @!p0 $0x0  }
0x198: {  	s7 =	simm.s32 @!p0 $0x4000;
	[sflag:s0] =	ssyncadd.s32 @!p0 $0xFFFFC000;
	s0 =	sadd.s32 @!p0 s30, s12  }
0x199: {  	[tilespmem:s7], [sflag:$0x2] =	stream.strided.gather @!p0 [hbm4b:s0+s2], $0x4000, s6, s2, $0x38;
	[tilespmem:$0x10000] =	vst v63  }
0x19a: {  	_ =	swait.ge [sflag:s22], $0x4000  }
0x19b: {  	v1 =	vimm.f32 $0.0e+00;
	[sflag:s22] =	ssyncset.done $0x0  }
0x19c: {  	v2 =	vimm.f32 $0.0e+00;
	v3 =	vimm.f32 $0.0e+00;
	v4 =	vimm.f32 $0.0e+00;
	s0 =	simm.s32 $0xFFFFFFF0;
	s2 =	simm.s32 $0xFFF0;
	[sflag:s22] =	ssyncadd.s32 $0xFFFFC000  }
.LBB2_9:
0x19d: {  	v5 =	vld [tilespmem:s2+$0xFFFFFE80]  }
0x19e: {  	v6 =	vld [tilespmem:s2+$0xFFFFFF00]  }
0x19f: {  	v7 =	vld [tilespmem:s2+$0xFFFFFF80];
	_ =	sdelay $0x2  }
0x1a0: {  	v8 =	vld [tilespmem:s2+$0x0];
	(xrf2) =	vadd.scan.msk.f32 $0xffff, v5  }
0x1a1: {  	v9 =	vld [tilespmem:s2+$0xFFFFFE70];
	(xrf2) =	vadd.scan.msk.f32 $0xffff, v6  }
0x1a2: {  	v10 =	vld [tilespmem:s2+$0xFFFFFEF0];
	(xrf2) =	vadd.scan.msk.f32 $0xffff, v7;
	_ =	sdelay $0x2  }
0x1a3: {  	v11 =	vld [tilespmem:s2+$0xFFFFFF70];
	(xrf2) =	vadd.scan.msk.f32 $0xffff, v8  }
0x1a4: {  	v12 =	vld [tilespmem:s2+$0xFFFFFFF0];
	(xrf2) =	vadd.scan.msk.f32 $0xffff, v9  }
0x1a5: {  	v13 =	vld [tilespmem:s2+$0xFFFFFE60];
	(xrf2) =	vadd.scan.msk.f32 $0xffff, v10  }
0x1a6: {  	v14 =	vld [tilespmem:s2+$0xFFFFFEE0];
	_ =	sdelay $0x1  }
0x1a7: {  	v15, _, _ =	vpop (xrf2);
	(xrf2) =	vadd.scan.msk.f32 $0xffff, v11  }
0x1a8: {  	v18 =	vld [tilespmem:s2+$0xFFFFFF60];
	v16 =	vperm.xlane v15, v0;
	v17, _, _ =	vpop (xrf2);
	(xrf2) =	vadd.scan.msk.f32 $0xffff, v12  }
0x1a9: {  	v21 =	vld [tilespmem:s2+$0xFFFFFFE0];
	v19 =	vperm.xlane v17, v0;
	v20, _, _ =	vpop (xrf2);
	(xrf2) =	vadd.scan.msk.f32 $0xffff, v13  }
0x1aa: {  	v22 =	vld [tilespmem:s2+$0xFFFFFE50];
	v4 =	vadd.f32 v16, v4;
	v39 =	vperm.xlane v20, v0;
	(xrf2) =	vadd.scan.msk.f32 $0xffff, v14  }
0x1ab: {  	v3 =	vadd.f32 v19, v3  }
0x1ac: {  	v40, _, _ =	vpop (xrf2);
	v15 =	vsub.f32 v4, v15;
	v2 =	vadd.f32 v39, v2  }
0x1ad: {  	v24 =	vld [tilespmem:s2+$0xFFFFFED0];
	v41 =	vperm.xlane v40, v0;
	v23, _, _ =	vpop (xrf2);
	(xrf2) =	vadd.scan.msk.f32 $0xffff, v18;
	v17 =	vsub.f32 v3, v17  }
0x1ae: {  	v26 =	vld [tilespmem:s2+$0xFFFFFF50];
	v43 =	vperm.xlane v23, v0;
	v25, _, _ =	vpop (xrf2);
	(xrf2) =	vadd.scan.msk.f32 $0xffff, v21;
	v5 =	vadd.f32 v15, v5;
	v42 =	vsub.f32 v2, v20  }
0x1af: {  	v45 =	vld [tilespmem:s2+$0xFFFFFFD0];
	v1 =	vadd.f32 v41, v1;
	v44 =	vperm.xlane v25, v0;
	(xrf2) =	vadd.scan.msk.f32 $0xffff, v22;
	v6 =	vadd.f32 v17, v6  }
0x1b0: {  	v4 =	vadd.f32 v43, v4;
	[tilespmem:s2+$0xFFFFFE80] =	vst v5;
	v5 =	vadd.f32 v42, v7  }
0x1b1: {  	v3 =	vadd.f32 v44, v3;
	[tilespmem:s2+$0xFFFFFF00] =	vst v6;
	v6 =	vsub.f32 v1, v40;
	v7, _, _ =	vpop (xrf2)  }
0x1b2: {  	v48 =	vld [tilespmem:s2+$0xFFFFFE40];
	[tilespmem:s2+$0xFFFFFF80] =	vst v5;
	v5 =	vsub.f32 v4, v23;
	v46 =	vperm.xlane v7, v0;
	v47, _, _ =	vpop (xrf2);
	(xrf2) =	vadd.scan.msk.f32 $0xffff, v24  }
0x1b3: {  	v52 =	vld [tilespmem:s2+$0xFFFFFEC0];
	v49 =	vsub.f32 v3, v25;
	v6 =	vadd.f32 v6, v8;
	v50 =	vperm.xlane v47, v0;
	v51, _, _ =	vpop (xrf2);
	(xrf2) =	vadd.scan.msk.f32 $0xffff, v26  }
0x1b4: {  	v27 =	vld [tilespmem:s2+$0xFFFFFF40];
	v5 =	vadd.f32 v5, v9;
	v2 =	vadd.f32 v46, v2;
	v53 =	vperm.xlane v51, v0;
	v54, _, _ =	vpop (xrf2);
	(xrf2) =	vadd.scan.msk.f32 $0xffff, v45  }
0x1b5: {  	[tilespmem:s2+$0x0] =	vst v6;
	v6 =	vadd.f32 v49, v10;
	v1 =	vadd.f32 v50, v1;
	v55 =	vperm.xlane v54, v0  }
0x1b6: {  	[tilespmem:s2+$0xFFFFFE70] =	vst v5;
	v5 =	vsub.f32 v2, v7;
	v4 =	vadd.f32 v53, v4  }
0x1b7: {  	v56 =	vld [tilespmem:s2+$0xFFFFFFC0];
	(xrf2) =	vadd.scan.msk.f32 $0xffff, v48;
	v7, _, _ =	vpop (xrf2);
	[tilespmem:s2+$0xFFFFFEF0] =	vst v6;
	v6 =	vsub.f32 v1, v47;
	v3 =	vadd.f32 v55, v3  }
0x1b8: {  	v59 =	vld [tilespmem:s2+$0xFFFFFE30];
	(xrf2) =	vadd.scan.msk.f32 $0xffff, v52;
	v57 =	vperm.xlane v7, v0;
	v58, _, _ =	vpop (xrf2);
	v5 =	vadd.f32 v5, v11;
	v9 =	vsub.f32 v4, v51  }
0x1b9: {  	v63 =	vld [tilespmem:s2+$0xFFFFFEB0];
	v61 =	vperm.xlane v58, v0;
	v62, _, _ =	vpop (xrf2);
	(xrf2) =	vadd.scan.msk.f32 $0xffff, v27;
	v6 =	vadd.f32 v6, v12;
	v60 =	vsub.f32 v3, v54  }
0x1ba: {  	v30 =	vld [tilespmem:s2+$0xFFFFFF30];
	v2 =	vadd.f32 v57, v2;
	v29 =	vperm.xlane v62, v0;
	[tilespmem:s2+$0xFFFFFF70] =	vst v5;
	v5 =	vadd.f32 v9, v13  }
0x1bb: {  	v1 =	vadd.f32 v61, v1;
	[tilespmem:s2+$0xFFFFFFF0] =	vst v6;
	v6 =	vadd.f32 v60, v14  }
0x1bc: {  	(xrf2) =	vadd.scan.msk.f32 $0xffff, v56;
	v4 =	vadd.f32 v29, v4;
	[tilespmem:s2+$0xFFFFFE60] =	vst v5;
	v5 =	vsub.f32 v2, v7;
	v7, _, _ =	vpop (xrf2)  }
0x1bd: {  	v33 =	vld [tilespmem:s2+$0xFFFFFFB0];
	(xrf2) =	vadd.scan.msk.f32 $0xffff, v59;
	[tilespmem:s2+$0xFFFFFEE0] =	vst v6;
	v6 =	vsub.f32 v1, v58;
	v31 =	vperm.xlane v7, v0;
	v32, _, _ =	vpop (xrf2)  }
0x1be: {  	v34 =	vsub.f32 v4, v62;
	(xrf2) =	vadd.scan.msk.f32 $0xffff, v63;
	v5 =	vadd.f32 v5, v18;
	v35 =	vperm.xlane v32, v0;
	v36, _, _ =	vpop (xrf2);
	v18 =	vld [tilespmem:s2+$0xFFFFFE20]  }
0x1bf: {  	v20 =	vld [tilespmem:s2+$0xFFFFFEA0];
	(xrf2) =	vadd.scan.msk.f32 $0xffff, v30;
	v6 =	vadd.f32 v6, v21;
	v3 =	vadd.f32 v31, v3;
	v37 =	vperm.xlane v36, v0  }
0x1c0: {  	[tilespmem:s2+$0xFFFFFF60] =	vst v5;
	v5 =	vadd.f32 v34, v22;
	v2 =	vadd.f32 v35, v2  }
0x1c1: {  	[tilespmem:s2+$0xFFFFFFE0] =	vst v6;
	v6 =	vsub.f32 v3, v7;
	v1 =	vadd.f32 v37, v1;
	v7, _, _ =	vpop (xrf2)  }
0x1c2: {  	v40 =	vld [tilespmem:s2+$0xFFFFFF20];
	[tilespmem:s2+$0xFFFFFE50] =	vst v5;
	v5 =	vsub.f32 v2, v32;
	v38 =	vperm.xlane v7, v0;
	v39, _, _ =	vpop (xrf2);
	(xrf2) =	vadd.scan.msk.f32 $0xffff, v33  }
0x1c3: {  	v22 =	vld [tilespmem:s2+$0xFFFFFFA0];
	v6 =	vadd.f32 v6, v24;
	v41 =	vsub.f32 v1, v36;
	v42 =	vperm.xlane v39, v0;
	v43, _, _ =	vpop (xrf2);
	(xrf2) =	vadd.scan.msk.f32 $0xffff, v18  }
0x1c4: {  	v24 =	vld [tilespmem:s2+$0xFFFFFE10];
	v5 =	vadd.f32 v5, v26;
	v4 =	vadd.f32 v38, v4;
	v44 =	vperm.xlane v43, v0;
	(xrf2) =	vadd.scan.msk.f32 $0xffff, v20  }
0x1c5: {  	[tilespmem:s2+$0xFFFFFED0] =	vst v6;
	v6 =	vadd.f32 v41, v45;
	v3 =	vadd.f32 v42, v3  }
0x1c6: {  	[tilespmem:s2+$0xFFFFFF50] =	vst v5;
	v5 =	vsub.f32 v4, v7;
	v2 =	vadd.f32 v44, v2;
	v7, _, _ =	vpop (xrf2)  }
0x1c7: {  	v14 =	vld [tilespmem:s2+$0xFFFFFE90];
	[tilespmem:s2+$0xFFFFFFD0] =	vst v6;
	v6 =	vsub.f32 v3, v39;
	v45 =	vperm.xlane v7, v0;
	v46, _, _ =	vpop (xrf2);
	(xrf2) =	vadd.scan.msk.f32 $0xffff, v40  }
0x1c8: {  	v21 =	vld [tilespmem:s2+$0xFFFFFF10];
	v5 =	vadd.f32 v5, v48;
	v47 =	vsub.f32 v2, v43;
	v48 =	vperm.xlane v46, v0;
	v49, _, _ =	vpop (xrf2);
	(xrf2) =	vadd.scan.msk.f32 $0xffff, v22  }
0x1c9: {  	v6 =	vadd.f32 v6, v52;
	v1 =	vadd.f32 v45, v1;
	v50 =	vperm.xlane v49, v0;
	v51, _, _ =	vpop (xrf2);
	(xrf2) =	vadd.scan.msk.f32 $0xffff, v24;
	v52 =	vld [tilespmem:s2+$0xFFFFFF90]  }
0x1ca: {  	[tilespmem:s2+$0xFFFFFE40] =	vst v5;
	v5 =	vadd.f32 v47, v27;
	v4 =	vadd.f32 v48, v4;
	v53 =	vperm.xlane v51, v0  }
0x1cb: {  	[tilespmem:s2+$0xFFFFFEC0] =	vst v6;
	v6 =	vsub.f32 v1, v7;
	v3 =	vadd.f32 v50, v3  }
0x1cc: {  	v9 =	vld [tilespmem:s2+$0xFFFFFC80];
	(xrf2) =	vadd.scan.msk.f32 $0xffff, v14;
	[tilespmem:s2+$0xFFFFFF40] =	vst v5;
	v5 =	vsub.f32 v4, v46;
	v2 =	vadd.f32 v53, v2;
	v7, _, _ =	vpop (xrf2)  }
0x1cd: {  	v57 =	vld [tilespmem:s2+$0xFFFFFD00];
	(xrf2) =	vadd.scan.msk.f32 $0xffff, v21;
	v6 =	vadd.f32 v6, v56;
	v54 =	vsub.f32 v3, v49;
	v55 =	vperm.xlane v7, v0;
	v56, _, _ =	vpop (xrf2)  }
0x1ce: {  	v61 =	vld [tilespmem:s2+$0xFFFFFD80];
	v5 =	vadd.f32 v5, v59;
	v58 =	vsub.f32 v2, v51;
	v59 =	vperm.xlane v56, v0;
	v60, _, _ =	vpop (xrf2);
	(xrf2) =	vadd.scan.msk.f32 $0xffff, v52  }
0x1cf: {  	[tilespmem:s2+$0xFFFFFFC0] =	vst v6;
	v6 =	vadd.f32 v54, v63;
	v1 =	vadd.f32 v55, v1;
	v62 =	vperm.xlane v60, v0;
	v63 =	vld [tilespmem:s2+$0xFFFFFE00]  }
0x1d0: {  	[tilespmem:s2+$0xFFFFFE30] =	vst v5;
	v5 =	vadd.f32 v58, v30;
	v4 =	vadd.f32 v59, v4  }
0x1d1: {  	(xrf2) =	vadd.scan.msk.f32 $0xffff, v9;
	[tilespmem:s2+$0xFFFFFEB0] =	vst v6;
	v6 =	vsub.f32 v1, v7;
	v3 =	vadd.f32 v62, v3;
	v7, _, _ =	vpop (xrf2)  }
0x1d2: {  	v32 =	vld [tilespmem:s2+$0xFFFFFC70];
	(xrf2) =	vadd.scan.msk.f32 $0xffff, v57;
	[tilespmem:s2+$0xFFFFFF30] =	vst v5;
	v5 =	vsub.f32 v4, v56;
	v30 =	vperm.xlane v7, v0;
	v31, _, _ =	vpop (xrf2)  }
0x1d3: {  	v36 =	vld [tilespmem:s2+$0xFFFFFCF0];
	(xrf2) =	vadd.scan.msk.f32 $0xffff, v61;
	v6 =	vadd.f32 v6, v33;
	v33 =	vsub.f32 v3, v60;
	v34 =	vperm.xlane v31, v0;
	v35, _, _ =	vpop (xrf2)  }
0x1d4: {  	v5 =	vadd.f32 v5, v18;
	v2 =	vadd.f32 v30, v2;
	v37 =	vperm.xlane v35, v0;
	(xrf2) =	vadd.scan.msk.f32 $0xffff, v63;
	v18 =	vld [tilespmem:s2+$0xFFFFFD70]  }
0x1d5: {  	v12 =	vld [tilespmem:s2+$0xFFFFFDF0];
	[tilespmem:s2+$0xFFFFFFB0] =	vst v6;
	v6 =	vadd.f32 v33, v20;
	v1 =	vadd.f32 v34, v1  }
0x1d6: {  	[tilespmem:s2+$0xFFFFFE20] =	vst v5;
	v5 =	vsub.f32 v2, v7;
	v4 =	vadd.f32 v37, v4;
	v7, _, _ =	vpop (xrf2)  }
0x1d7: {  	v43 =	vld [tilespmem:s2+$0xFFFFFC60];
	(xrf2) =	vadd.scan.msk.f32 $0xffff, v32;
	[tilespmem:s2+$0xFFFFFEA0] =	vst v6;
	v6 =	vsub.f32 v1, v31;
	v38 =	vperm.xlane v7, v0;
	v39, _, _ =	vpop (xrf2)  }
0x1d8: {  	(xrf2) =	vadd.scan.msk.f32 $0xffff, v36;
	v5 =	vadd.f32 v5, v40;
	v40 =	vsub.f32 v4, v35;
	v41 =	vperm.xlane v39, v0;
	v42, _, _ =	vpop (xrf2)  }
0x1d9: {  	v6 =	vadd.f32 v6, v22;
	v3 =	vadd.f32 v38, v3;
	v44 =	vperm.xlane v42, v0;
	(xrf2) =	vadd.scan.msk.f32 $0xffff, v18;
	v22 =	vld [tilespmem:s2+$0xFFFFFCE0]  }
0x1da: {  	v13 =	vld [tilespmem:s2+$0xFFFFFD60];
	[tilespmem:s2+$0xFFFFFF20] =	vst v5;
	v5 =	vadd.f32 v40, v24;
	v2 =	vadd.f32 v41, v2;
	(xrf2) =	vadd.scan.msk.f32 $0xffff, v12  }
0x1db: {  	[tilespmem:s2+$0xFFFFFFA0] =	vst v6;
	v6 =	vsub.f32 v3, v7;
	v1 =	vadd.f32 v44, v1;
	v7, _, _ =	vpop (xrf2)  }
0x1dc: {  	v8 =	vld [tilespmem:s2+$0xFFFFFDE0];
	(xrf2) =	vadd.scan.msk.f32 $0xffff, v43;
	[tilespmem:s2+$0xFFFFFE10] =	vst v5;
	v5 =	vsub.f32 v2, v39;
	v45 =	vperm.xlane v7, v0;
	v46, _, _ =	vpop (xrf2)  }
0x1dd: {  	v25 =	vld [tilespmem:s2+$0xFFFFFC50];
	v6 =	vadd.f32 v6, v14;
	v47 =	vsub.f32 v1, v42;
	v48 =	vperm.xlane v46, v0;
	v49, _, _ =	vpop (xrf2)  }
0x1de: {  	v26 =	vld [tilespmem:s2+$0xFFFFFCD0];
	v5 =	vadd.f32 v5, v21;
	v4 =	vadd.f32 v45, v4;
	v50 =	vperm.xlane v49, v0;
	v51, _, _ =	vpop (xrf2);
	(xrf2) =	vadd.scan.msk.f32 $0xffff, v22  }
0x1df: {  	v14 =	vadd.f32 v47, v52;
	v3 =	vadd.f32 v48, v3;
	v52 =	vperm.xlane v51, v0;
	(xrf2) =	vadd.scan.msk.f32 $0xffff, v13  }
0x1e0: {  	[tilespmem:s2+$0xFFFFFE90] =	vst v6;
	v6 =	vsub.f32 v4, v7;
	v2 =	vadd.f32 v50, v2  }
0x1e1: {  	(xrf2) =	vadd.scan.msk.f32 $0xffff, v8;
	v7 =	vld [tilespmem:s2+$0xFFFFFD50];
	[tilespmem:s2+$0xFFFFFF10] =	vst v5;
	v53, _, _ =	vpop (xrf2);
	v5 =	vsub.f32 v3, v46;
	v1 =	vadd.f32 v52, v1  }
0x1e2: {  	v16 =	vld [tilespmem:s2+$0xFFFFFDD0];
	v55 =	vperm.xlane v53, v0;
	v56, _, _ =	vpop (xrf2);
	(xrf2) =	vadd.scan.msk.f32 $0xffff, v25;
	v6 =	vadd.f32 v6, v9;
	v54 =	vsub.f32 v2, v49  }
0x1e3: {  	v28 =	vld [tilespmem:s2+$0xFFFFFC40];
	v58 =	vperm.xlane v56, v0;
	(xrf2) =	vadd.scan.msk.f32 $0xffff, v26;
	v5 =	vadd.f32 v5, v57;
	v57 =	vsub.f32 v1, v51;
	v59, _, _ =	vpop (xrf2)  }
0x1e4: {  	v21 =	vld [tilespmem:s2+$0xFFFFFCC0];
	v4 =	vadd.f32 v55, v4;
	v9 =	vadd.f32 v54, v61;
	v60 =	vperm.xlane v59, v0;
	v61, _, _ =	vpop (xrf2)  }
0x1e5: {  	v3 =	vadd.f32 v58, v3;
	[tilespmem:s2+$0xFFFFFC80] =	vst v6;
	v11 =	vadd.f32 v57, v63;
	v62 =	vperm.xlane v61, v0  }
0x1e6: {  	v10 =	vld [tilespmem:s2+$0xFFFFFD40];
	(xrf2) =	vadd.scan.msk.f32 $0xffff, v7;
	v6 =	vsub.f32 v4, v53;
	[tilespmem:s2+$0xFFFFFD00] =	vst v5;
	v63, _, _ =	vpop (xrf2);
	v2 =	vadd.f32 v60, v2  }
0x1e7: {  	v17 =	vld [tilespmem:s2+$0xFFFFFDC0];
	(xrf2) =	vadd.scan.msk.f32 $0xffff, v16;
	v5 =	vsub.f32 v3, v56;
	v33 =	vperm.xlane v63, v0;
	v1 =	vadd.f32 v62, v1  }
0x1e8: {  	[tilespmem:s2+$0xFFFFFF90] =	vst v14;
	v6 =	vadd.f32 v6, v32;
	(xrf2) =	vadd.scan.msk.f32 $0xffff, v28;
	v32 =	vsub.f32 v2, v59;
	v34, _, _ =	vpop (xrf2)  }
0x1e9: {  	v29 =	vld [tilespmem:s2+$0xFFFFFC30];
	v5 =	vadd.f32 v5, v36;
	v4 =	vadd.f32 v33, v4;
	(xrf2) =	vadd.scan.msk.f32 $0xffff, v21;
	v36 =	vperm.xlane v34, v0;
	v37, _, _ =	vpop (xrf2)  }
0x1ea: {  	v24 =	vld [tilespmem:s2+$0xFFFFFCB0];
	[tilespmem:s2+$0xFFFFFD80] =	vst v9;
	v35 =	vsub.f32 v1, v61;
	v9 =	vadd.f32 v32, v18;
	v38 =	vperm.xlane v37, v0  }
0x1eb: {  	(xrf2) =	vadd.scan.msk.f32 $0xffff, v10;
	[tilespmem:s2+$0xFFFFFC70] =	vst v6;
	v39, _, _ =	vpop (xrf2);
	v41 =	vsub.f32 v4, v63;
	v3 =	vadd.f32 v36, v3  }
0x1ec: {  	v14 =	vld [tilespmem:s2+$0xFFFFFD30];
	(xrf2) =	vadd.scan.msk.f32 $0xffff, v17;
	v12 =	vadd.f32 v35, v12;
	v40 =	vperm.xlane v39, v0;
	v42, _, _ =	vpop (xrf2);
	v2 =	vadd.f32 v38, v2  }
0x1ed: {  	[tilespmem:s2+$0xFFFFFCF0] =	vst v5;
	v5 =	vadd.f32 v41, v43;
	v44 =	vperm.xlane v42, v0;
	v45, _, _ =	vpop (xrf2);
	v6 =	vsub.f32 v3, v34  }
0x1ee: {  	v19 =	vld [tilespmem:s2+$0xFFFFFDB0];
	(xrf2) =	vadd.scan.msk.f32 $0xffff, v29;
	v1 =	vadd.f32 v40, v1;
	v46 =	vperm.xlane v45, v0;
	v43 =	vsub.f32 v2, v37  }
0x1ef: {  	v30 =	vld [tilespmem:s2+$0xFFFFFC20];
	[tilespmem:s2+$0xFFFFFE00] =	vst v11;
	(xrf2) =	vadd.scan.msk.f32 $0xffff, v24;
	v4 =	vadd.f32 v44, v4;
	v6 =	vadd.f32 v6, v22  }
0x1f0: {  	[tilespmem:s2+$0xFFFFFDF0] =	vst v12;
	v18 =	vsub.f32 v1, v39;
	v47, _, _ =	vpop (xrf2);
	v3 =	vadd.f32 v46, v3  }
0x1f1: {  	(xrf2) =	vadd.scan.msk.f32 $0xffff, v14;
	v22 =	vld [tilespmem:s2+$0xFFFFFCA0];
	v11 =	vadd.f32 v43, v13;
	v48 =	vperm.xlane v47, v0;
	v49, _, _ =	vpop (xrf2);
	v51 =	vsub.f32 v4, v42  }
0x1f2: {  	[tilespmem:s2+$0xFFFFFC60] =	vst v5;
	v13 =	vld [tilespmem:s2+$0xFFFFFD20];
	v8 =	vadd.f32 v18, v8;
	v50 =	vperm.xlane v49, v0;
	v52 =	vsub.f32 v3, v45;
	v53, _, _ =	vpop (xrf2)  }
0x1f3: {  	(xrf2) =	vadd.scan.msk.f32 $0xffff, v19;
	v2 =	vadd.f32 v48, v2;
	v5 =	vadd.f32 v51, v25;
	v55 =	vperm.xlane v53, v0;
	v56, _, _ =	vpop (xrf2)  }
0x1f4: {  	v18 =	vld [tilespmem:s2+$0xFFFFFDA0];
	(xrf2) =	vadd.scan.msk.f32 $0xffff, v30;
	v1 =	vadd.f32 v50, v1;
	v12 =	vadd.f32 v52, v26;
	v57 =	vperm.xlane v56, v0  }
0x1f5: {  	[tilespmem:s2+$0xFFFFFCE0] =	vst v6;
	v58, _, _ =	vpop (xrf2);
	v54 =	vsub.f32 v2, v47;
	v4 =	vadd.f32 v55, v4  }
0x1f6: {  	v59 =	vperm.xlane v58, v0;
	v60, _, _ =	vpop (xrf2);
	(xrf2) =	vadd.scan.msk.f32 $0xffff, v22;
	v20 =	vsub.f32 v1, v49;
	v3 =	vadd.f32 v57, v3  }
0x1f7: {  	v31 =	vld [tilespmem:s2+$0xFFFFFC10];
	v61 =	vperm.xlane v60, v0;
	(xrf2) =	vadd.scan.msk.f32 $0xffff, v13;
	v7 =	vadd.f32 v54, v7;
	v6 =	vsub.f32 v4, v53  }
0x1f8: {  	[tilespmem:s2+$0xFFFFFD70] =	vst v9;
	v26 =	vld [tilespmem:s2+$0xFFFFFC90];
	v63, _, _ =	vpop (xrf2);
	v2 =	vadd.f32 v59, v2;
	v16 =	vadd.f32 v20, v16  }
0x1f9: {  	v9 =	vld [tilespmem:s2+$0xFFFFFD10];
	(xrf2) =	vadd.scan.msk.f32 $0xffff, v18;
	v33 =	vperm.xlane v63, v0;
	v34, _, _ =	vpop (xrf2);
	v62 =	vsub.f32 v3, v56;
	v1 =	vadd.f32 v61, v1  }
0x1fa: {  	[tilespmem:s2+$0xFFFFFD60] =	vst v11;
	v20 =	vld [tilespmem:s2+$0xFFFFFD90];
	v36 =	vperm.xlane v34, v0;
	v6 =	vadd.f32 v6, v28;
	v32 =	vsub.f32 v2, v58  }
0x1fb: {  	[tilespmem:s2+$0xFFFFFDE0] =	vst v8;
	v4 =	vadd.f32 v33, v4;
	v11 =	vadd.f32 v62, v21;
	v37, _, _ =	vpop (xrf2)  }
0x1fc: {  	(xrf2) =	vadd.scan.msk.f32 $0xffff, v31;
	v35 =	vsub.f32 v1, v60;
	v3 =	vadd.f32 v36, v3;
	v38 =	vperm.xlane v37, v0  }
0x1fd: {  	[tilespmem:s2+$0xFFFFFC50] =	vst v5;
	(xrf2) =	vadd.scan.msk.f32 $0xffff, v26;
	v8 =	vadd.f32 v32, v10;
	v39, _, _ =	vpop (xrf2);
	v5 =	vsub.f32 v4, v63  }
0x1fe: {  	(xrf2) =	vadd.scan.msk.f32 $0xffff, v9;
	v17 =	vadd.f32 v35, v17;
	v41, _, _ =	vpop (xrf2);
	v2 =	vadd.f32 v38, v2  }
0x1ff: {  	v40 =	vperm.xlane v39, v0;
	v42 =	vsub.f32 v3, v34;
	(xrf2) =	vadd.scan.msk.f32 $0xffff, v20;
	v44 =	vperm.xlane v41, v0  }
0x200: {  	[tilespmem:s2+$0xFFFFFD50] =	vst v7;
	v5 =	vadd.f32 v5, v29;
	v43, _, _ =	vpop (xrf2);
	v7 =	vsub.f32 v2, v37  }
0x201: {  	[tilespmem:s2+$0xFFFFFCD0] =	vst v12;
	v1 =	vadd.f32 v40, v1;
	v4 =	vadd.f32 v44, v4;
	v45, _, _ =	vpop (xrf2)  }
0x202: {  	[tilespmem:s2+$0xFFFFFC40] =	vst v6;
	v47 =	vperm.xlane v43, v0;
	v6 =	vadd.f32 v7, v14;
	v7 =	vperm.xlane v45, v0  }
0x203: {  	[tilespmem:s2+$0xFFFFFDD0] =	vst v16;
	v12 =	vadd.f32 v42, v24;
	v46 =	vsub.f32 v1, v39;
	v48, _, _ =	vpop (xrf2)  }
0x204: {  	[tilespmem:s2+$0xFFFFFCC0] =	vst v11;
	v51 =	vsub.f32 v4, v41;
	v3 =	vadd.f32 v47, v3;
	v50 =	vperm.xlane v48, v0  }
0x205: {  	[tilespmem:s2+$0xFFFFFD40] =	vst v8;
	v49 =	vadd.f32 v46, v19;
	v2 =	vadd.f32 v7, v2  }
0x206: {  	[tilespmem:s2+$0xFFFFFDC0] =	vst v17;
	v52 =	vsub.f32 v3, v43;
	v1 =	vadd.f32 v50, v1;
	v7, _, _ =	vpop (xrf2)  }
0x207: {  	[tilespmem:s2+$0xFFFFFC30] =	vst v5;
	v5 =	vadd.f32 v51, v30;
	v54 =	vsub.f32 v2, v45;
	v53, _, _ =	vpop (xrf2);
	v55 =	vperm.xlane v7, v0  }
0x208: {  	[tilespmem:s2+$0xFFFFFCB0] =	vst v12;
	v10 =	vadd.f32 v52, v22;
	v57 =	vsub.f32 v1, v48;
	v56, _, _ =	vpop (xrf2);
	v58 =	vperm.xlane v53, v0  }
0x209: {  	[tilespmem:s2+$0xFFFFFD30] =	vst v6;
	v6 =	vadd.f32 v54, v13;
	v4 =	vadd.f32 v55, v4;
	v59 =	vperm.xlane v56, v0;
	v60, _, _ =	vpop (xrf2)  }
0x20a: {  	[tilespmem:s2+$0xFFFFFDB0] =	vst v49;
	v61 =	vadd.f32 v57, v18;
	v3 =	vadd.f32 v58, v3;
	v62 =	vperm.xlane v60, v0  }
0x20b: {  	[tilespmem:s2+$0xFFFFFC20] =	vst v5;
	v2 =	vadd.f32 v59, v2;
	v5 =	vsub.f32 v4, v7  }
0x20c: {  	s0 =	sadd.s32 $0x10, s0;
	[tilespmem:s2+$0xFFFFFCA0] =	vst v10;
	v1 =	vadd.f32 v62, v1;
	v7 =	vsub.f32 v3, v53  }
0x20d: {  	p0 =	slt.u32 s0, $0xF0;
	[tilespmem:s2+$0xFFFFFD20] =	vst v6;
	v5 =	vadd.f32 v5, v31;
	v6 =	vsub.f32 v2, v56  }
.Ltmp3:
0x20e: {  	[tilespmem:s2+$0xFFFFFDA0] =	vst v61;
	v7 =	vadd.f32 v7, v26;
	v63 =	vsub.f32 v1, v60;
	(pc) =	sbr.rel @p0 .LBB2_9-.Ltmp3, $4  }
0x20f: {  	[tilespmem:s2+$0xFFFFFC10] =	vst v5;
	v5 =	vadd.f32 v6, v9  }
0x210: {  	[tilespmem:s2+$0xFFFFFC90] =	vst v7;
	v6 =	vadd.f32 v63, v20  }
0x211: {  	[tilespmem:s2+$0xFFFFFD10] =	vst v5  }
0x212: {  	[tilespmem:s2+$0xFFFFFD90] =	vst v6;
	s2 =	sadd.s32 $0xFFFFFC00, s2  }
0x213: {  	s29 =	sadd.s32 $0x1, s29  }
0x214: {  	p0 =	sne.s32 s29, $0x20  }
.Ltmp4:
0x215: {  	_ = 	snop;
	(pc) =	sbr.rel @p0 .LBB2_2-.Ltmp4, $3  }
0x216: {  	_ =	sdelay $0x1  }
0x217: {  	s0 =	sadd.s32 s3, s31  }
0x218: {  	[hbm4b:s0+s14] =	stream.strided.scatter [tilespmem:s19], [sflag:$0x8], $0x4000, s15, s14, $0x38;
	[tilespmem:$0x10000] =	vst v63  }
0x219: {  	_ =	swait.ge [sflag:s23], $0x4000  }
0x21a: {  	[sflag:s23] =	ssyncset.done $0x0  }
0x21b: {  	[sflag:s23] =	ssyncadd.s32 $0xFFFFC000  }
0x21c: {  	_ =	swait.ge [sflag:s24], $0x4000  }
0x21d: {  	[sflag:s24] =	ssyncset.done $0x0  }
0x21e: {  	[sflag:s24] =	ssyncadd.s32 $0xFFFFC000  }
0x21f: {  	_ =	swait.ge [sflag:s25], $0x4000  }
0x220: {  	[sflag:s25] =	ssyncset.done $0x0  }
0x221: {  	[sflag:s25] =	ssyncadd.s32 $0xFFFFC000  }
0x222: {  	_ =	swait.ge [sflag:s26], $0x4000  }
0x223: {  	s28 =	sadd.s32 $0x1, s28;
	s0 =	rddreg [dreg:$0x5]  }
0x224: {  	p0 =	sne.s32 s28, s0  }
.Ltmp5:
0x225: {  	_ = 	snop;
	(pc) =	sbr.rel @p0 .LBB2_1-.Ltmp5, $3  }
0x226: {  	_ =	sdelay $0x1  }
0x227: {  	[sflag:s26] =	ssyncset.done $0x0  }
0x228: {  	[sflag:s26] =	ssyncadd.s32 $0xFFFFC000  }
0x229: {  	_ =	sfence.sel $0x180000  }
0x22a: {  	[bflag:$0x0] =	sbarrier.arrive $0xFFFF  }
0x22b: {  	_ =	strace $0x90000047  }
0x22c: {  	s0 =	stileid.u32;
	[bflag:$0x2] =	sbarrier.arrive $0xFFFF  }
0x22d: {  	p0 =	sne.s32 s0, $0x0;
	s0 =	rddreg [dreg:$0x2]  }
0x22e: {  	s0 =	sadd.s32 @!p0 $0x100000, s0  }
0x22f: {  	[sflag:s0] =	ssyncadd.tile.s32 @!p0 $0x1;
	_ =	shalt  }
.Lfunc_end2:
_tile_overlayer_lowered:
.L_overlay_start_2:
0x230: {  	(tag) =	ssettag $0x2  }
0x231: {  	s0 =	rddreg [dreg:$0x0];
	s2 =	stileid.u32  }
0x232: {  	s1 =	rddreg [dreg:$0x1];
	p0 =	sne.s32 s2, $0x0  }
0x233: {  	s3 =	rddreg [dreg:$0x2];
	[bflag:$0x3] =	sbarrier.arrive $0xFFFF;
	s2 =	simm.s32 @!p0 $0x1C09  }
0x234: {  	[timem:s3], [sflag:s2] =	dma.local @!p0 [hbm:s0], s1  }
0x235: {  	s0 =	simm.s32 @!p0 $0x9  }
0x236: {  	_ =	swait.ge @!p0 [sflag:s0], s1  }
0x237: {  	s1 =	ssub.s32 @!p0 $0x0, s1;
	[sflag:s0] =	ssyncset.done @!p0 $0x0  }
0x238: {  	[sflag:s0] =	ssyncadd.s32 @!p0 s1  }
0x239: {  	[bflag:$0x3] =	sbarrier.arrive $0xFFFF  }
0x23a: {  	_ =	shalt  }

</sc_bundles>
